<compile_context>
chip_gen: v7x
topology: tpu7x:2x2x1
jax: 0.10.2.dev20260603
libtpu: 0.0.44.dev20260713+nightly
codegen_flags: <defaults>
</compile_context>

<pallas_src>
import functools

import jax
import jax.numpy as jnp
from jax import lax
from jax.experimental import pallas as pl
from jax.experimental.pallas import tpu as pltpu
from jax.experimental.pallas import tpu_sc as plsc

_N = 10000
_H = 128
_E = 320000

_NC = 2
_NS = 16
_NW = _NC * _NS

_CH = 128
_NCH_T = 79
_EPT = _CH * _NCH_T
_EP = _EPT * _NW
_NP = 10112
_RPT = _NP // _NS
_CNTW = 16

@functools.cache
def _mesh():
    return plsc.VectorSubcoreMesh(
        core_axis_name="c", subcore_axis_name="s", num_cores=_NC, num_subcores=_NS
    )


def _zero_f32(ref, rows, cols):
    z = jnp.zeros((16,), jnp.float32)
    cpr = cols // 16

    def body(i, _):
        ref[i // cpr, pl.ds((i % cpr) * 16, 16)] = z
        return 0

    lax.fori_loop(0, rows * cpr, body, 0)


def _fill_f32(ref, rows, cols, value):
    v = jnp.full((16,), value, jnp.float32)
    cpr = cols // 16

    def body(i, _):
        ref[i // cpr, pl.ds((i % cpr) * 16, 16)] = v
        return 0

    lax.fori_loop(0, rows * cpr, body, 0)


def _stripe_copy(src_sp, dst, base):
    for k in range(4):
        pltpu.sync_copy(src_sp.at[pl.ds(base + k * 128, 128)],
                        dst.at[pl.ds(base + k * 128, 128)])
    pltpu.sync_copy(src_sp.at[pl.ds(base + 512, _RPT - 512)],
                    dst.at[pl.ds(base + 512, _RPT - 512)])


def _deg_body(dst_hbm, out_hbm, didx_v, cnt_v):
    c = lax.axis_index("c")
    s = lax.axis_index("s")
    w = c * _NS + s

    z = jnp.zeros((16,), jnp.float32)

    def zb(i, _):
        cnt_v[pl.ds(i * 16, 16)] = z
        return 0

    lax.fori_loop(0, _NP // 16, zb, 0)
    pltpu.sync_copy(dst_hbm.at[pl.ds(w * _EPT, _EPT)], didx_v)

    ones = jnp.ones((16,), jnp.float32)

    def body(j, _):
        idx = didx_v[pl.ds(j * 16, 16)]
        plsc.addupdate_scatter(cnt_v, [idx], ones)
        return 0

    lax.fori_loop(0, _EPT // 16, body, 0)
    pltpu.sync_copy(cnt_v, out_hbm.at[pl.ds(w * _NP, _NP)])


def _edge_body(y_hbm, src_hbm, dst_hbm, out_hbm, sidx_v, didx_v, rows_v, acc_sp):
    c = lax.axis_index("c")
    s = lax.axis_index("s")
    w = c * _NS + s
    base = s * _RPT

    _zero_f32(rows_v, _CH, _H)
    for k in range(4):
        pltpu.sync_copy(rows_v, acc_sp.at[pl.ds(base + k * 128, 128)])
    pltpu.sync_copy(rows_v.at[pl.ds(0, _RPT - 512)],
                    acc_sp.at[pl.ds(base + 512, _RPT - 512)])

    pltpu.sync_copy(src_hbm.at[pl.ds(w * _EPT, _EPT)], sidx_v)
    pltpu.sync_copy(dst_hbm.at[pl.ds(w * _EPT, _EPT)], didx_v)
    plsc.subcore_barrier()

    def body(j, _):
        pltpu.sync_copy(y_hbm.at[sidx_v.at[pl.ds(j * _CH, _CH)]], rows_v)
        pltpu.sync_copy(rows_v, acc_sp.at[didx_v.at[pl.ds(j * _CH, _CH)]],
                        add=True)
        return 0

    lax.fori_loop(0, _NCH_T, body, 0)
    plsc.subcore_barrier()
    _stripe_copy(acc_sp, out_hbm.at[c], base)


@functools.cache
def _deg_kernel():
    return pl.kernel(
        _deg_body,
        out_type=jax.ShapeDtypeStruct((_NW * _NP,), jnp.float32),
        mesh=_mesh(),
        scratch_types=[
            pltpu.VMEM((_EPT,), jnp.int32),
            pltpu.VMEM((_NP,), jnp.float32),
        ],
        compiler_params=pltpu.CompilerParams(needs_layout_passes=False),
    )


@functools.cache
def _edge_kernel():
    return pl.kernel(
        _edge_body,
        out_type=jax.ShapeDtypeStruct((_NC, _NP, _H), jnp.float32),
        mesh=_mesh(),
        scratch_types=[
            pltpu.VMEM((_EPT,), jnp.int32),
            pltpu.VMEM((_EPT,), jnp.int32),
            pltpu.VMEM((_CH, _H), jnp.float32),
            pltpu.VMEM_SHARED((_NP, _H), jnp.float32),
        ],
    )


def _bn_linear_body(x_ref, wt_ref, gamma_ref, beta_ref, bias_ref, cnt_ref,
                    y_ref, self_ref):
    xs = x_ref[...]
    rows = lax.broadcasted_iota(jnp.int32, (_NP, 1), 0)
    mask = (rows < _N).astype(jnp.float32)
    mean = jnp.sum(xs, axis=0, keepdims=True) * (1.0 / _N)
    d = (xs - mean) * mask
    var = jnp.sum(d * d, axis=0, keepdims=True) * (1.0 / _N)
    rstd = lax.rsqrt(var + 1e-5)
    xn = d * (rstd * gamma_ref[...]) + beta_ref[...] * mask
    xl = jnp.dot(xn, wt_ref[...], preferred_element_type=jnp.float32)
    deg = jnp.sum(cnt_ref[...], axis=1, keepdims=True) + 1.0
    dinv = lax.rsqrt(deg)
    y_ref[...] = xl * dinv
    self_ref[...] = xl * (dinv * dinv) + bias_ref[...]


def _combine_body(acc_ref, self_ref, cnt_ref, out_ref):
    acc = acc_ref[0] + acc_ref[1]
    deg = jnp.sum(cnt_ref[...], axis=1, keepdims=True) + 1.0
    dinv = lax.rsqrt(deg)
    full = acc * dinv + self_ref[...]
    out_ref[...] = jnp.maximum(full[: _N, :], 0.0)


def kernel(x, edge_index, gamma, beta, W, bias):
    pad_e = _EP - _E
    src_p = jnp.concatenate(
        [edge_index[0], jnp.full((pad_e,), _N, jnp.int32)])
    dst_p = jnp.concatenate(
        [edge_index[1], jnp.full((pad_e,), _N, jnp.int32)])
    xpad = jnp.concatenate(
        [x, jnp.zeros((_NP - _N, _H), jnp.float32)], axis=0)
    wt = W.T

    cnt = _deg_kernel()(dst_p)
    cnt_t = cnt.reshape(_NW, _NP).T

    y, selfterm = pl.pallas_call(
        _bn_linear_body,
        out_shape=(
            jax.ShapeDtypeStruct((_NP, _H), jnp.float32),
            jax.ShapeDtypeStruct((_NP, _H), jnp.float32),
        ),
    )(xpad, wt, gamma, beta, bias, cnt_t)

    acc = _edge_kernel()(y, src_p, dst_p)

    out = pl.pallas_call(
        _combine_body,
        out_shape=jax.ShapeDtypeStruct((_N, _H), jnp.float32),
    )(acc, selfterm, cnt_t)
    return out

# --- scband reference (transcript-rebuilt; emitter-appended) ---
"""Pipeline reference for scband-gnn-layer-68521908240879 (READ-ONLY COPY).

The authoritative reference and input builder live on the scoring server;
editing this copy changes nothing except your own understanding.
"""

import jax, jax.numpy as jnp
import numpy as np

N = 10000
E = 320000
H = 128


def setup_inputs(seed: int = 0) -> dict:
    key = jax.random.key(seed)
    k1, k2, k3 = jax.random.split(key, 3)
    x = jax.random.normal(k1, (N, H), dtype=jnp.float32)
    edge_index = jax.random.randint(k2, (2, E), 0, N, dtype=jnp.int32)
    # GCNConv linear weight (PyG: lin = Linear(hidden, hidden, bias=False), out bias separate)
    W = jax.random.normal(k3, (H, H), dtype=jnp.float32) * (1.0 / np.sqrt(H))
    bias = jnp.zeros((H,), dtype=jnp.float32)
    # BatchNorm1d parameters
    gamma = jnp.ones((H,), dtype=jnp.float32)
    beta = jnp.zeros((H,), dtype=jnp.float32)
    return {"x": x, "edge_index": edge_index, "gamma": gamma, "beta": beta, "W": W, "bias": bias}


def reference(x, edge_index, gamma, beta, W, bias):
    eps = 1e-5
    # BatchNorm1d (training-mode batch statistics, biased variance as in PyTorch normalization)
    mean = jnp.mean(x, axis=0)
    var = jnp.var(x, axis=0)
    xn = (x - mean) / jnp.sqrt(var + eps) * gamma + beta
    # GCNConv with added self-loops and symmetric normalization (PyG defaults)
    n = x.shape[0]
    loop = jnp.arange(n, dtype=edge_index.dtype)
    src = jnp.concatenate([edge_index[0], loop])
    dst = jnp.concatenate([edge_index[1], loop])
    xl = xn @ W.T
    ones = jnp.ones(src.shape[0], dtype=xl.dtype)
    deg = jax.ops.segment_sum(ones, dst, num_segments=n)
    dinv = jnp.where(deg > 0, jax.lax.rsqrt(deg), 0.0)
    norm = dinv[src] * dinv[dst]
    msgs = xl[src] * norm[:, None]
    out = jax.ops.segment_sum(msgs, dst, num_segments=n) + bias
    # F.relu then dropout (identity in eval / deterministic reference)
    return jax.nn.relu(out)

if __name__ == "__main__":
    import jax
    _d = setup_inputs()
    print(jax.jit(kernel)(*tuple(_d.values())))

</pallas_src>

<mosaic_0001>
#map = affine_map<(d0, d1) -> (0, 0)>
#map1 = affine_map<(d0, d1) -> (0)>
#map2 = affine_map<(d0, d1) -> (0, 0, 0)>
module attributes {stable_mosaic.version = 14 : i64} {
  func.func @_edge_body(%arg0: i32, %arg1: i32, %arg2: memref<10112x128xf32, #tpu.memory_space<hbm>>, %arg3: memref<323584xi32, #tpu.memory_space<hbm>>, %arg4: memref<323584xi32, #tpu.memory_space<hbm>>, %arg5: memref<2x10112x128xf32, #tpu.memory_space<hbm>>, %arg6: memref<10112xi32, #tpu.memory_space<vmem>>, %arg7: memref<10112xi32, #tpu.memory_space<vmem>>, %arg8: memref<128x128xf32, #tpu.memory_space<vmem>>, %arg9: memref<10112x128xf32, #tpu.memory_space<vmem_shared>>) attributes {dimension_semantics = [#tpu.dimension_semantics<core_parallel>, #tpu.dimension_semantics<subcore_parallel>], iteration_bounds = array<i64: 2, 16>, scalar_prefetch = 0 : i64, scratch_operands = 4 : i64, tpu.core_type = #tpu.core_type<sc_vector_subcore>, window_params = [{transform_indices = #map}, {transform_indices = #map1}, {transform_indices = #map1}, {transform_indices = #map2}]} {
    %mul3A = arith.constant 16 : i32
    %mul3A_0 = arith.muli %arg0, %mul3A : i32
    %add3A = arith.addi %mul3A_0, %arg1 : i32
    %mul3A_1 = arith.constant 632 : i32
    %mul3A_2 = arith.muli %arg1, %mul3A_1 : i32
    %broadcast_in_dim3A = arith.constant 0.000000e+00 : f32
    %broadcast_in_dim3A_3 = vector.broadcast %broadcast_in_dim3A : f32 to vector<16xf32>
    %scan3A = arith.constant 0 : i32
    %scan3A_4 = arith.constant 0 : i32
    %scan3A_5 = arith.constant 1024 : i32
    %scan3A_6 = arith.addi %scan3A_4, %scan3A_5 : i32
    %scan3A_7 = arith.constant 1 : i32
    %scan3A_8 = scf.for %scan3A_52 = %scan3A_4 to %scan3A_6 step %scan3A_7 iter_args(%scan3A_53 = %scan3A) -> (i32)  : i32 {
      %jit3A = arith.constant 8 : i32
      %div3A = arith.divsi %scan3A_52, %jit3A : i32
      %sign3A = arith.constant 0 : i32
      %sign3A_54 = arith.cmpi sgt, %scan3A_52, %sign3A : i32
      %sign3A_55 = arith.extui %sign3A_54 : i1 to i32
      %sign3A_56 = arith.constant 0 : i32
      %sign3A_57 = arith.cmpi slt, %scan3A_52, %sign3A_56 : i32
      %sign3A_58 = arith.extui %sign3A_57 : i1 to i32
      %sign3A_59 = arith.subi %sign3A_55, %sign3A_58 : i32
      %sign3A_60 = arith.constant 0 : i32
      %sign3A_61 = arith.cmpi sgt, %jit3A, %sign3A_60 : i32
      %sign3A_62 = arith.extui %sign3A_61 : i1 to i32
      %sign3A_63 = arith.constant 0 : i32
      %sign3A_64 = arith.cmpi slt, %jit3A, %sign3A_63 : i32
      %sign3A_65 = arith.extui %sign3A_64 : i1 to i32
      %sign3A_66 = arith.subi %sign3A_62, %sign3A_65 : i32
      %ne3A = arith.cmpi ne, %sign3A_59, %sign3A_66 : i32
      %rem3A = arith.remsi %scan3A_52, %jit3A : i32
      %ne3A_67 = arith.constant 0 : i32
      %ne3A_68 = arith.cmpi ne, %rem3A, %ne3A_67 : i32
      %and3A = arith.andi %ne3A, %ne3A_68 : i1
      %sub3A = arith.constant 1 : i32
      %sub3A_69 = arith.subi %div3A, %sub3A : i32
      %select_n3A = arith.select %and3A, %sub3A_69, %div3A : i32
      %jit3A_70 = arith.constant 8 : i32
      %eq3A = arith.constant 0 : i32
      %eq3A_71 = arith.cmpi eq, %jit3A_70, %eq3A : i32
      %jit3A_72 = arith.constant 1 : i32
      %select_n3A_73 = arith.select %eq3A_71, %jit3A_72, %jit3A_70 : i32
      %rem3A_74 = arith.remsi %scan3A_52, %select_n3A_73 : i32
      %ne3A_75 = arith.constant 0 : i32
      %ne3A_76 = arith.cmpi ne, %rem3A_74, %ne3A_75 : i32
      %lt3A = arith.constant 0 : i32
      %lt3A_77 = arith.cmpi slt, %rem3A_74, %lt3A : i32
      %lt3A_78 = arith.constant 0 : i32
      %lt3A_79 = arith.cmpi slt, %select_n3A_73, %lt3A_78 : i32
      %ne3A_80 = arith.xori %lt3A_77, %lt3A_79 : i1
      %and3A_81 = arith.andi %ne3A_80, %ne3A_76 : i1
      %add3A_82 = arith.addi %rem3A_74, %select_n3A_73 : i32
      %select_n3A_83 = arith.select %and3A_81, %add3A_82, %rem3A_74 : i32
      %mul3A_84 = arith.constant 16 : i32
      %mul3A_85 = arith.muli %select_n3A_83, %mul3A_84 : i32
      %swap3A = arith.index_cast %select_n3A : i32 to index
      %swap3A_86 = arith.index_cast %mul3A_85 : i32 to index
      %swap3A_87 = tpu.vector_load %arg8[%swap3A, %swap3A_86] {strides = array<i32>} : memref<128x128xf32, #tpu.memory_space<vmem>>, vector<1x16xf32>,
      %swap3A_88 = vector.shape_cast %swap3A_87 : vector<1x16xf32> to vector<16xf32>
      %swap3A_89 = vector.shape_cast %broadcast_in_dim3A_3 : vector<16xf32> to vector<1x16xf32>
      tpu.vector_store %arg8[%swap3A, %swap3A_86], %swap3A_89 {strides = array<i32>} : memref<128x128xf32, #tpu.memory_space<vmem>>, vector<1x16xf32>,
      %scan3A_90 = arith.constant 0 : i32
      scf.yield %scan3A_90 : i32
    }
    %scan3A_9 = arith.constant 1024 : i32
    %add3A_10 = arith.constant 0 : i32
    %add3A_11 = arith.addi %mul3A_2, %add3A_10 : i32
    "tpu.region"() ({
      %run_scoped3A = tpu.sem_alloc : memref<!tpu.dma_semaphore, #tpu.memory_space<semaphore_mem>>
      %dma_start3A = arith.constant 0 : i32
      %dma_start3A_52 = tpu.memref_slice %arg9[%add3A_11, %dma_start3A] : memref<10112x128xf32, #tpu.memory_space<vmem_shared>> -> memref<128x128xf32, #tpu.memory_space<vmem_shared>>
      %dma_start3A_53 = arith.constant 0 : i32
      %dma_start3A_54 = tpu.memref_slice %arg9[%add3A_11, %dma_start3A_53] : memref<10112x128xf32, #tpu.memory_space<vmem_shared>> -> memref<128x128xf32, #tpu.memory_space<vmem_shared>>
      tpu.enqueue_dma source(%arg8 : memref<128x128xf32, #tpu.memory_space<vmem>>) target(%dma_start3A_54 : memref<128x128xf32, #tpu.memory_space<vmem_shared>>) target_semaphore(%run_scoped3A : memref<!tpu.dma_semaphore, #tpu.memory_space<semaphore_mem>>)
      %dma_wait3A = arith.constant 0 : i32
      %dma_wait3A_55 = tpu.memref_slice %arg9[%add3A_11, %dma_wait3A] : memref<10112x128xf32, #tpu.memory_space<vmem_shared>> -> memref<128x128xf32, #tpu.memory_space<vmem_shared>>
      %dma_wait3A_56 = arith.constant 0 : i32
      %dma_wait3A_57 = tpu.memref_slice %arg9[%add3A_11, %dma_wait3A_56] : memref<10112x128xf32, #tpu.memory_space<vmem_shared>> -> memref<128x128xf32, #tpu.memory_space<vmem_shared>>
      tpu.wait_dma2 semaphore(%run_scoped3A : memref<!tpu.dma_semaphore, #tpu.memory_space<semaphore_mem>>) src(%arg8 : memref<128x128xf32, #tpu.memory_space<vmem>>) dst(%dma_wait3A_57 : memref<128x128xf32, #tpu.memory_space<vmem_shared>>)
      tpu.yield
    }) : () -> ()
    %add3A_12 = arith.constant 128 : i32
    %add3A_13 = arith.addi %mul3A_2, %add3A_12 : i32
    "tpu.region"() ({
      %run_scoped3A = tpu.sem_alloc : memref<!tpu.dma_semaphore, #tpu.memory_space<semaphore_mem>>
      %dma_start3A = arith.constant 0 : i32
      %dma_start3A_52 = tpu.memref_slice %arg9[%add3A_13, %dma_start3A] : memref<10112x128xf32, #tpu.memory_space<vmem_shared>> -> memref<128x128xf32, #tpu.memory_space<vmem_shared>>
      %dma_start3A_53 = arith.constant 0 : i32
      %dma_start3A_54 = tpu.memref_slice %arg9[%add3A_13, %dma_start3A_53] : memref<10112x128xf32, #tpu.memory_space<vmem_shared>> -> memref<128x128xf32, #tpu.memory_space<vmem_shared>>
      tpu.enqueue_dma source(%arg8 : memref<128x128xf32, #tpu.memory_space<vmem>>) target(%dma_start3A_54 : memref<128x128xf32, #tpu.memory_space<vmem_shared>>) target_semaphore(%run_scoped3A : memref<!tpu.dma_semaphore, #tpu.memory_space<semaphore_mem>>)
      %dma_wait3A = arith.constant 0 : i32
      %dma_wait3A_55 = tpu.memref_slice %arg9[%add3A_13, %dma_wait3A] : memref<10112x128xf32, #tpu.memory_space<vmem_shared>> -> memref<128x128xf32, #tpu.memory_space<vmem_shared>>
      %dma_wait3A_56 = arith.constant 0 : i32
      %dma_wait3A_57 = tpu.memref_slice %arg9[%add3A_13, %dma_wait3A_56] : memref<10112x128xf32, #tpu.memory_space<vmem_shared>> -> memref<128x128xf32, #tpu.memory_space<vmem_shared>>
      tpu.wait_dma2 semaphore(%run_scoped3A : memref<!tpu.dma_semaphore, #tpu.memory_space<semaphore_mem>>) src(%arg8 : memref<128x128xf32, #tpu.memory_space<vmem>>) dst(%dma_wait3A_57 : memref<128x128xf32, #tpu.memory_space<vmem_shared>>)
      tpu.yield
    }) : () -> ()
    %add3A_14 = arith.constant 256 : i32
    %add3A_15 = arith.addi %mul3A_2, %add3A_14 : i32
    "tpu.region"() ({
      %run_scoped3A = tpu.sem_alloc : memref<!tpu.dma_semaphore, #tpu.memory_space<semaphore_mem>>
      %dma_start3A = arith.constant 0 : i32
      %dma_start3A_52 = tpu.memref_slice %arg9[%add3A_15, %dma_start3A] : memref<10112x128xf32, #tpu.memory_space<vmem_shared>> -> memref<128x128xf32, #tpu.memory_space<vmem_shared>>
      %dma_start3A_53 = arith.constant 0 : i32
      %dma_start3A_54 = tpu.memref_slice %arg9[%add3A_15, %dma_start3A_53] : memref<10112x128xf32, #tpu.memory_space<vmem_shared>> -> memref<128x128xf32, #tpu.memory_space<vmem_shared>>
      tpu.enqueue_dma source(%arg8 : memref<128x128xf32, #tpu.memory_space<vmem>>) target(%dma_start3A_54 : memref<128x128xf32, #tpu.memory_space<vmem_shared>>) target_semaphore(%run_scoped3A : memref<!tpu.dma_semaphore, #tpu.memory_space<semaphore_mem>>)
      %dma_wait3A = arith.constant 0 : i32
      %dma_wait3A_55 = tpu.memref_slice %arg9[%add3A_15, %dma_wait3A] : memref<10112x128xf32, #tpu.memory_space<vmem_shared>> -> memref<128x128xf32, #tpu.memory_space<vmem_shared>>
      %dma_wait3A_56 = arith.constant 0 : i32
      %dma_wait3A_57 = tpu.memref_slice %arg9[%add3A_15, %dma_wait3A_56] : memref<10112x128xf32, #tpu.memory_space<vmem_shared>> -> memref<128x128xf32, #tpu.memory_space<vmem_shared>>
      tpu.wait_dma2 semaphore(%run_scoped3A : memref<!tpu.dma_semaphore, #tpu.memory_space<semaphore_mem>>) src(%arg8 : memref<128x128xf32, #tpu.memory_space<vmem>>) dst(%dma_wait3A_57 : memref<128x128xf32, #tpu.memory_space<vmem_shared>>)
      tpu.yield
    }) : () -> ()
    %add3A_16 = arith.constant 384 : i32
    %add3A_17 = arith.addi %mul3A_2, %add3A_16 : i32
    "tpu.region"() ({
      %run_scoped3A = tpu.sem_alloc : memref<!tpu.dma_semaphore, #tpu.memory_space<semaphore_mem>>
      %dma_start3A = arith.constant 0 : i32
      %dma_start3A_52 = tpu.memref_slice %arg9[%add3A_17, %dma_start3A] : memref<10112x128xf32, #tpu.memory_space<vmem_shared>> -> memref<128x128xf32, #tpu.memory_space<vmem_shared>>
      %dma_start3A_53 = arith.constant 0 : i32
      %dma_start3A_54 = tpu.memref_slice %arg9[%add3A_17, %dma_start3A_53] : memref<10112x128xf32, #tpu.memory_space<vmem_shared>> -> memref<128x128xf32, #tpu.memory_space<vmem_shared>>
      tpu.enqueue_dma source(%arg8 : memref<128x128xf32, #tpu.memory_space<vmem>>) target(%dma_start3A_54 : memref<128x128xf32, #tpu.memory_space<vmem_shared>>) target_semaphore(%run_scoped3A : memref<!tpu.dma_semaphore, #tpu.memory_space<semaphore_mem>>)
      %dma_wait3A = arith.constant 0 : i32
      %dma_wait3A_55 = tpu.memref_slice %arg9[%add3A_17, %dma_wait3A] : memref<10112x128xf32, #tpu.memory_space<vmem_shared>> -> memref<128x128xf32, #tpu.memory_space<vmem_shared>>
      %dma_wait3A_56 = arith.constant 0 : i32
      %dma_wait3A_57 = tpu.memref_slice %arg9[%add3A_17, %dma_wait3A_56] : memref<10112x128xf32, #tpu.memory_space<vmem_shared>> -> memref<128x128xf32, #tpu.memory_space<vmem_shared>>
      tpu.wait_dma2 semaphore(%run_scoped3A : memref<!tpu.dma_semaphore, #tpu.memory_space<semaphore_mem>>) src(%arg8 : memref<128x128xf32, #tpu.memory_space<vmem>>) dst(%dma_wait3A_57 : memref<128x128xf32, #tpu.memory_space<vmem_shared>>)
      tpu.yield
    }) : () -> ()
    %add3A_18 = arith.constant 512 : i32
    %add3A_19 = arith.addi %mul3A_2, %add3A_18 : i32
    "tpu.region"() ({
      %run_scoped3A = tpu.sem_alloc : memref<!tpu.dma_semaphore, #tpu.memory_space<semaphore_mem>>
      %dma_start3A = arith.constant 0 : i32
      %dma_start3A_52 = arith.constant 0 : i32
      %dma_start3A_53 = tpu.memref_slice %arg8[%dma_start3A, %dma_start3A_52] : memref<128x128xf32, #tpu.memory_space<vmem>> -> memref<120x128xf32, #tpu.memory_space<vmem>>
      %dma_start3A_54 = arith.constant 0 : i32
      %dma_start3A_55 = tpu.memref_slice %arg9[%add3A_19, %dma_start3A_54] : memref<10112x128xf32, #tpu.memory_space<vmem_shared>> -> memref<120x128xf32, #tpu.memory_space<vmem_shared>>
      %dma_start3A_56 = arith.constant 0 : i32
      %dma_start3A_57 = tpu.memref_slice %arg9[%add3A_19, %dma_start3A_56] : memref<10112x128xf32, #tpu.memory_space<vmem_shared>> -> memref<120x128xf32, #tpu.memory_space<vmem_shared>>
      %dma_start3A_58 = arith.constant 0 : i32
      %dma_start3A_59 = arith.constant 0 : i32
      %dma_start3A_60 = tpu.memref_slice %arg8[%dma_start3A_58, %dma_start3A_59] : memref<128x128xf32, #tpu.memory_space<vmem>> -> memref<120x128xf32, #tpu.memory_space<vmem>>
      tpu.enqueue_dma source(%dma_start3A_60 : memref<120x128xf32, #tpu.memory_space<vmem>>) target(%dma_start3A_57 : memref<120x128xf32, #tpu.memory_space<vmem_shared>>) target_semaphore(%run_scoped3A : memref<!tpu.dma_semaphore, #tpu.memory_space<semaphore_mem>>)
      %dma_wait3A = arith.constant 0 : i32
      %dma_wait3A_61 = arith.constant 0 : i32
      %dma_wait3A_62 = tpu.memref_slice %arg8[%dma_wait3A, %dma_wait3A_61] : memref<128x128xf32, #tpu.memory_space<vmem>> -> memref<120x128xf32, #tpu.memory_space<vmem>>
      %dma_wait3A_63 = arith.constant 0 : i32
      %dma_wait3A_64 = tpu.memref_slice %arg9[%add3A_19, %dma_wait3A_63] : memref<10112x128xf32, #tpu.memory_space<vmem_shared>> -> memref<120x128xf32, #tpu.memory_space<vmem_shared>>
      %dma_wait3A_65 = arith.constant 0 : i32
      %dma_wait3A_66 = tpu.memref_slice %arg9[%add3A_19, %dma_wait3A_65] : memref<10112x128xf32, #tpu.memory_space<vmem_shared>> -> memref<120x128xf32, #tpu.memory_space<vmem_shared>>
      %dma_wait3A_67 = arith.constant 0 : i32
      %dma_wait3A_68 = arith.constant 0 : i32
      %dma_wait3A_69 = tpu.memref_slice %arg8[%dma_wait3A_67, %dma_wait3A_68] : memref<128x128xf32, #tpu.memory_space<vmem>> -> memref<120x128xf32, #tpu.memory_space<vmem>>
      tpu.wait_dma2 semaphore(%run_scoped3A : memref<!tpu.dma_semaphore, #tpu.memory_space<semaphore_mem>>) src(%dma_wait3A_69 : memref<120x128xf32, #tpu.memory_space<vmem>>) dst(%dma_wait3A_66 : memref<120x128xf32, #tpu.memory_space<vmem_shared>>)
      tpu.yield
    }) : () -> ()
    %mul3A_20 = arith.constant 10112 : i32
    %mul3A_21 = arith.muli %add3A, %mul3A_20 : i32
    "tpu.region"() ({
      %run_scoped3A = tpu.sem_alloc : memref<!tpu.dma_semaphore, #tpu.memory_space<semaphore_mem>>
      %dma_start3A = tpu.memref_slice %arg3[%mul3A_21] : memref<323584xi32, #tpu.memory_space<hbm>> -> memref<10112xi32, #tpu.memory_space<hbm>>
      %dma_start3A_52 = tpu.memref_slice %arg3[%mul3A_21] : memref<323584xi32, #tpu.memory_space<hbm>> -> memref<10112xi32, #tpu.memory_space<hbm>>
      tpu.enqueue_dma source(%dma_start3A_52 : memref<10112xi32, #tpu.memory_space<hbm>>) target(%arg6 : memref<10112xi32, #tpu.memory_space<vmem>>) target_semaphore(%run_scoped3A : memref<!tpu.dma_semaphore, #tpu.memory_space<semaphore_mem>>)
      %dma_wait3A = tpu.memref_slice %arg3[%mul3A_21] : memref<323584xi32, #tpu.memory_space<hbm>> -> memref<10112xi32, #tpu.memory_space<hbm>>
      %dma_wait3A_53 = tpu.memref_slice %arg3[%mul3A_21] : memref<323584xi32, #tpu.memory_space<hbm>> -> memref<10112xi32, #tpu.memory_space<hbm>>
      tpu.wait_dma2 semaphore(%run_scoped3A : memref<!tpu.dma_semaphore, #tpu.memory_space<semaphore_mem>>) src(%dma_wait3A_53 : memref<10112xi32, #tpu.memory_space<hbm>>) dst(%arg6 : memref<10112xi32, #tpu.memory_space<vmem>>)
      tpu.yield
    }) : () -> ()
    %mul3A_22 = arith.constant 10112 : i32
    %mul3A_23 = arith.muli %add3A, %mul3A_22 : i32
    "tpu.region"() ({
      %run_scoped3A = tpu.sem_alloc : memref<!tpu.dma_semaphore, #tpu.memory_space<semaphore_mem>>
      %dma_start3A = tpu.memref_slice %arg4[%mul3A_23] : memref<323584xi32, #tpu.memory_space<hbm>> -> memref<10112xi32, #tpu.memory_space<hbm>>
      %dma_start3A_52 = tpu.memref_slice %arg4[%mul3A_23] : memref<323584xi32, #tpu.memory_space<hbm>> -> memref<10112xi32, #tpu.memory_space<hbm>>
      tpu.enqueue_dma source(%dma_start3A_52 : memref<10112xi32, #tpu.memory_space<hbm>>) target(%arg7 : memref<10112xi32, #tpu.memory_space<vmem>>) target_semaphore(%run_scoped3A : memref<!tpu.dma_semaphore, #tpu.memory_space<semaphore_mem>>)
      %dma_wait3A = tpu.memref_slice %arg4[%mul3A_23] : memref<323584xi32, #tpu.memory_space<hbm>> -> memref<10112xi32, #tpu.memory_space<hbm>>
      %dma_wait3A_53 = tpu.memref_slice %arg4[%mul3A_23] : memref<323584xi32, #tpu.memory_space<hbm>> -> memref<10112xi32, #tpu.memory_space<hbm>>
      tpu.wait_dma2 semaphore(%run_scoped3A : memref<!tpu.dma_semaphore, #tpu.memory_space<semaphore_mem>>) src(%dma_wait3A_53 : memref<10112xi32, #tpu.memory_space<hbm>>) dst(%arg7 : memref<10112xi32, #tpu.memory_space<vmem>>)
      tpu.yield
    }) : () -> ()
    %barrier3A = arith.constant 0 : index
    tpu.barrier barrier_id(%barrier3A)
    %scan3A_24 = arith.constant 0 : i32
    %scan3A_25 = arith.constant 0 : i32
    %scan3A_26 = arith.constant 79 : i32
    %scan3A_27 = arith.addi %scan3A_25, %scan3A_26 : i32
    %scan3A_28 = arith.constant 1 : i32
    %scan3A_29 = scf.for %scan3A_52 = %scan3A_25 to %scan3A_27 step %scan3A_28 iter_args(%scan3A_53 = %scan3A_24) -> (i32)  : i32 {
      %mul3A_54 = arith.constant 128 : i32
      %mul3A_55 = arith.muli %scan3A_52, %mul3A_54 : i32
      "tpu.region"() ({
        %run_scoped3A = tpu.sem_alloc : memref<!tpu.dma_semaphore, #tpu.memory_space<semaphore_mem>>
        %dma_start3A = tpu.memref_slice %arg6[%mul3A_55] : memref<10112xi32, #tpu.memory_space<vmem>> -> memref<128xi32, #tpu.memory_space<vmem>>
        %dma_start3A_59 = arith.constant 0 : i32
        %dma_start3A_60 = arith.constant 0 : i32
        %dma_start3A_61 = tpu.memref_slice %arg2[%dma_start3A_59, %dma_start3A_60] : memref<10112x128xf32, #tpu.memory_space<hbm>> -> memref<10112x128xf32, #tpu.memory_space<hbm>>
        tpu.enqueue_indirect_dma source(%dma_start3A_61 : memref<10112x128xf32, #tpu.memory_space<hbm>>) target(%arg8 : memref<128x128xf32, #tpu.memory_space<vmem>>) offsets(%dma_start3A : memref<128xi32, #tpu.memory_space<vmem>>) semaphore(%run_scoped3A : memref<!tpu.dma_semaphore, #tpu.memory_space<semaphore_mem>>)
        %dma_wait3A = tpu.memref_slice %arg6[%mul3A_55] : memref<10112xi32, #tpu.memory_space<vmem>> -> memref<128xi32, #tpu.memory_space<vmem>>
        %dma_wait3A_62 = arith.constant 0 : i32
        %dma_wait3A_63 = arith.constant 0 : i32
        %dma_wait3A_64 = tpu.memref_slice %arg2[%dma_wait3A_62, %dma_wait3A_63] : memref<10112x128xf32, #tpu.memory_space<hbm>> -> memref<10112x128xf32, #tpu.memory_space<hbm>>
        tpu.wait_indirect_dma semaphore(%run_scoped3A : memref<!tpu.dma_semaphore, #tpu.memory_space<semaphore_mem>>) src(%dma_wait3A_64 : memref<10112x128xf32, #tpu.memory_space<hbm>>) dst(%arg8 : memref<128x128xf32, #tpu.memory_space<vmem>>)
        tpu.yield
      }) : () -> ()
      %mul3A_56 = arith.constant 128 : i32
      %mul3A_57 = arith.muli %scan3A_52, %mul3A_56 : i32
      "tpu.region"() ({
        %run_scoped3A = tpu.sem_alloc : memref<!tpu.dma_semaphore, #tpu.memory_space<semaphore_mem>>
        %dma_start3A = tpu.memref_slice %arg7[%mul3A_57] : memref<10112xi32, #tpu.memory_space<vmem>> -> memref<128xi32, #tpu.memory_space<vmem>>
        %dma_start3A_59 = arith.constant 0 : i32
        %dma_start3A_60 = arith.constant 0 : i32
        %dma_start3A_61 = tpu.memref_slice %arg9[%dma_start3A_59, %dma_start3A_60] : memref<10112x128xf32, #tpu.memory_space<vmem_shared>> -> memref<10112x128xf32, #tpu.memory_space<vmem_shared>>
        tpu.enqueue_indirect_dma source(%arg8 : memref<128x128xf32, #tpu.memory_space<vmem>>) target(%dma_start3A_61 : memref<10112x128xf32, #tpu.memory_space<vmem_shared>>) offsets(%dma_start3A : memref<128xi32, #tpu.memory_space<vmem>>) semaphore(%run_scoped3A : memref<!tpu.dma_semaphore, #tpu.memory_space<semaphore_mem>>) {add = true}
        %dma_wait3A = tpu.memref_slice %arg7[%mul3A_57] : memref<10112xi32, #tpu.memory_space<vmem>> -> memref<128xi32, #tpu.memory_space<vmem>>
        %dma_wait3A_62 = arith.constant 0 : i32
        %dma_wait3A_63 = arith.constant 0 : i32
        %dma_wait3A_64 = tpu.memref_slice %arg9[%dma_wait3A_62, %dma_wait3A_63] : memref<10112x128xf32, #tpu.memory_space<vmem_shared>> -> memref<10112x128xf32, #tpu.memory_space<vmem_shared>>
        tpu.wait_indirect_dma semaphore(%run_scoped3A : memref<!tpu.dma_semaphore, #tpu.memory_space<semaphore_mem>>) src(%arg8 : memref<128x128xf32, #tpu.memory_space<vmem>>) dst(%dma_wait3A_64 : memref<10112x128xf32, #tpu.memory_space<vmem_shared>>)
        tpu.yield
      }) : () -> ()
      %scan3A_58 = arith.constant 0 : i32
      scf.yield %scan3A_58 : i32
    }
    %scan3A_30 = arith.constant 79 : i32
    %barrier3A_31 = arith.constant 0 : index
    tpu.barrier barrier_id(%barrier3A_31)
    %add3A_32 = arith.constant 0 : i32
    %add3A_33 = arith.addi %mul3A_2, %add3A_32 : i32
    %add3A_34 = arith.constant 0 : i32
    %add3A_35 = arith.addi %mul3A_2, %add3A_34 : i32
    "tpu.region"() ({
      %run_scoped3A = tpu.sem_alloc : memref<!tpu.dma_semaphore, #tpu.memory_space<semaphore_mem>>
      %dma_start3A = arith.constant 0 : i32
      %dma_start3A_52 = arith.constant 0 : i32
      %dma_start3A_53 = tpu.memref_slice %arg5[%arg0, %dma_start3A, %dma_start3A_52] : memref<2x10112x128xf32, #tpu.memory_space<hbm>> -> memref<1x10112x128xf32, #tpu.memory_space<hbm>>
      %dma_start3A_54 = tpu.memref_squeeze %dma_start3A_53 : memref<1x10112x128xf32, #tpu.memory_space<hbm>> -> memref<10112x128xf32, #tpu.memory_space<hbm>>
      %dma_start3A_55 = arith.constant 0 : i32
      %dma_start3A_56 = tpu.memref_slice %dma_start3A_54[%add3A_35, %dma_start3A_55] : memref<10112x128xf32, #tpu.memory_space<hbm>> -> memref<128x128xf32, #tpu.memory_space<hbm>>
      %dma_start3A_57 = arith.constant 0 : i32
      %dma_start3A_58 = tpu.memref_slice %arg9[%add3A_33, %dma_start3A_57] : memref<10112x128xf32, #tpu.memory_space<vmem_shared>> -> memref<128x128xf32, #tpu.memory_space<vmem_shared>>
      tpu.enqueue_dma source(%dma_start3A_58 : memref<128x128xf32, #tpu.memory_space<vmem_shared>>) target(%dma_start3A_56 : memref<128x128xf32, #tpu.memory_space<hbm>>) target_semaphore(%run_scoped3A : memref<!tpu.dma_semaphore, #tpu.memory_space<semaphore_mem>>)
      %dma_wait3A = arith.constant 0 : i32
      %dma_wait3A_59 = arith.constant 0 : i32
      %dma_wait3A_60 = tpu.memref_slice %arg5[%arg0, %dma_wait3A, %dma_wait3A_59] : memref<2x10112x128xf32, #tpu.memory_space<hbm>> -> memref<1x10112x128xf32, #tpu.memory_space<hbm>>
      %dma_wait3A_61 = tpu.memref_squeeze %dma_wait3A_60 : memref<1x10112x128xf32, #tpu.memory_space<hbm>> -> memref<10112x128xf32, #tpu.memory_space<hbm>>
      %dma_wait3A_62 = arith.constant 0 : i32
      %dma_wait3A_63 = tpu.memref_slice %dma_wait3A_61[%add3A_35, %dma_wait3A_62] : memref<10112x128xf32, #tpu.memory_space<hbm>> -> memref<128x128xf32, #tpu.memory_space<hbm>>
      %dma_wait3A_64 = arith.constant 0 : i32
      %dma_wait3A_65 = tpu.memref_slice %arg9[%add3A_33, %dma_wait3A_64] : memref<10112x128xf32, #tpu.memory_space<vmem_shared>> -> memref<128x128xf32, #tpu.memory_space<vmem_shared>>
      tpu.wait_dma2 semaphore(%run_scoped3A : memref<!tpu.dma_semaphore, #tpu.memory_space<semaphore_mem>>) src(%dma_wait3A_65 : memref<128x128xf32, #tpu.memory_space<vmem_shared>>) dst(%dma_wait3A_63 : memref<128x128xf32, #tpu.memory_space<hbm>>)
      tpu.yield
    }) : () -> ()
    %add3A_36 = arith.constant 128 : i32
    %add3A_37 = arith.addi %mul3A_2, %add3A_36 : i32
    %add3A_38 = arith.constant 128 : i32
    %add3A_39 = arith.addi %mul3A_2, %add3A_38 : i32
    "tpu.region"() ({
      %run_scoped3A = tpu.sem_alloc : memref<!tpu.dma_semaphore, #tpu.memory_space<semaphore_mem>>
      %dma_start3A = arith.constant 0 : i32
      %dma_start3A_52 = arith.constant 0 : i32
      %dma_start3A_53 = tpu.memref_slice %arg5[%arg0, %dma_start3A, %dma_start3A_52] : memref<2x10112x128xf32, #tpu.memory_space<hbm>> -> memref<1x10112x128xf32, #tpu.memory_space<hbm>>
      %dma_start3A_54 = tpu.memref_squeeze %dma_start3A_53 : memref<1x10112x128xf32, #tpu.memory_space<hbm>> -> memref<10112x128xf32, #tpu.memory_space<hbm>>
      %dma_start3A_55 = arith.constant 0 : i32
      %dma_start3A_56 = tpu.memref_slice %dma_start3A_54[%add3A_39, %dma_start3A_55] : memref<10112x128xf32, #tpu.memory_space<hbm>> -> memref<128x128xf32, #tpu.memory_space<hbm>>
      %dma_start3A_57 = arith.constant 0 : i32
      %dma_start3A_58 = tpu.memref_slice %arg9[%add3A_37, %dma_start3A_57] : memref<10112x128xf32, #tpu.memory_space<vmem_shared>> -> memref<128x128xf32, #tpu.memory_space<vmem_shared>>
      tpu.enqueue_dma source(%dma_start3A_58 : memref<128x128xf32, #tpu.memory_space<vmem_shared>>) target(%dma_start3A_56 : memref<128x128xf32, #tpu.memory_space<hbm>>) target_semaphore(%run_scoped3A : memref<!tpu.dma_semaphore, #tpu.memory_space<semaphore_mem>>)
      %dma_wait3A = arith.constant 0 : i32
      %dma_wait3A_59 = arith.constant 0 : i32
      %dma_wait3A_60 = tpu.memref_slice %arg5[%arg0, %dma_wait3A, %dma_wait3A_59] : memref<2x10112x128xf32, #tpu.memory_space<hbm>> -> memref<1x10112x128xf32, #tpu.memory_space<hbm>>
      %dma_wait3A_61 = tpu.memref_squeeze %dma_wait3A_60 : memref<1x10112x128xf32, #tpu.memory_space<hbm>> -> memref<10112x128xf32, #tpu.memory_space<hbm>>
      %dma_wait3A_62 = arith.constant 0 : i32
      %dma_wait3A_63 = tpu.memref_slice %dma_wait3A_61[%add3A_39, %dma_wait3A_62] : memref<10112x128xf32, #tpu.memory_space<hbm>> -> memref<128x128xf32, #tpu.memory_space<hbm>>
      %dma_wait3A_64 = arith.constant 0 : i32
      %dma_wait3A_65 = tpu.memref_slice %arg9[%add3A_37, %dma_wait3A_64] : memref<10112x128xf32, #tpu.memory_space<vmem_shared>> -> memref<128x128xf32, #tpu.memory_space<vmem_shared>>
      tpu.wait_dma2 semaphore(%run_scoped3A : memref<!tpu.dma_semaphore, #tpu.memory_space<semaphore_mem>>) src(%dma_wait3A_65 : memref<128x128xf32, #tpu.memory_space<vmem_shared>>) dst(%dma_wait3A_63 : memref<128x128xf32, #tpu.memory_space<hbm>>)
      tpu.yield
    }) : () -> ()
    %add3A_40 = arith.constant 256 : i32
    %add3A_41 = arith.addi %mul3A_2, %add3A_40 : i32
    %add3A_42 = arith.constant 256 : i32
    %add3A_43 = arith.addi %mul3A_2, %add3A_42 : i32
    "tpu.region"() ({
      %run_scoped3A = tpu.sem_alloc : memref<!tpu.dma_semaphore, #tpu.memory_space<semaphore_mem>>
      %dma_start3A = arith.constant 0 : i32
      %dma_start3A_52 = arith.constant 0 : i32
      %dma_start3A_53 = tpu.memref_slice %arg5[%arg0, %dma_start3A, %dma_start3A_52] : memref<2x10112x128xf32, #tpu.memory_space<hbm>> -> memref<1x10112x128xf32, #tpu.memory_space<hbm>>
      %dma_start3A_54 = tpu.memref_squeeze %dma_start3A_53 : memref<1x10112x128xf32, #tpu.memory_space<hbm>> -> memref<10112x128xf32, #tpu.memory_space<hbm>>
      %dma_start3A_55 = arith.constant 0 : i32
      %dma_start3A_56 = tpu.memref_slice %dma_start3A_54[%add3A_43, %dma_start3A_55] : memref<10112x128xf32, #tpu.memory_space<hbm>> -> memref<128x128xf32, #tpu.memory_space<hbm>>
      %dma_start3A_57 = arith.constant 0 : i32
      %dma_start3A_58 = tpu.memref_slice %arg9[%add3A_41, %dma_start3A_57] : memref<10112x128xf32, #tpu.memory_space<vmem_shared>> -> memref<128x128xf32, #tpu.memory_space<vmem_shared>>
      tpu.enqueue_dma source(%dma_start3A_58 : memref<128x128xf32, #tpu.memory_space<vmem_shared>>) target(%dma_start3A_56 : memref<128x128xf32, #tpu.memory_space<hbm>>) target_semaphore(%run_scoped3A : memref<!tpu.dma_semaphore, #tpu.memory_space<semaphore_mem>>)
      %dma_wait3A = arith.constant 0 : i32
      %dma_wait3A_59 = arith.constant 0 : i32
      %dma_wait3A_60 = tpu.memref_slice %arg5[%arg0, %dma_wait3A, %dma_wait3A_59] : memref<2x10112x128xf32, #tpu.memory_space<hbm>> -> memref<1x10112x128xf32, #tpu.memory_space<hbm>>
      %dma_wait3A_61 = tpu.memref_squeeze %dma_wait3A_60 : memref<1x10112x128xf32, #tpu.memory_space<hbm>> -> memref<10112x128xf32, #tpu.memory_space<hbm>>
      %dma_wait3A_62 = arith.constant 0 : i32
      %dma_wait3A_63 = tpu.memref_slice %dma_wait3A_61[%add3A_43, %dma_wait3A_62] : memref<10112x128xf32, #tpu.memory_space<hbm>> -> memref<128x128xf32, #tpu.memory_space<hbm>>
      %dma_wait3A_64 = arith.constant 0 : i32
      %dma_wait3A_65 = tpu.memref_slice %arg9[%add3A_41, %dma_wait3A_64] : memref<10112x128xf32, #tpu.memory_space<vmem_shared>> -> memref<128x128xf32, #tpu.memory_space<vmem_shared>>
      tpu.wait_dma2 semaphore(%run_scoped3A : memref<!tpu.dma_semaphore, #tpu.memory_space<semaphore_mem>>) src(%dma_wait3A_65 : memref<128x128xf32, #tpu.memory_space<vmem_shared>>) dst(%dma_wait3A_63 : memref<128x128xf32, #tpu.memory_space<hbm>>)
      tpu.yield
    }) : () -> ()
    %add3A_44 = arith.constant 384 : i32
    %add3A_45 = arith.addi %mul3A_2, %add3A_44 : i32
    %add3A_46 = arith.constant 384 : i32
    %add3A_47 = arith.addi %mul3A_2, %add3A_46 : i32
    "tpu.region"() ({
      %run_scoped3A = tpu.sem_alloc : memref<!tpu.dma_semaphore, #tpu.memory_space<semaphore_mem>>
      %dma_start3A = arith.constant 0 : i32
      %dma_start3A_52 = arith.constant 0 : i32
      %dma_start3A_53 = tpu.memref_slice %arg5[%arg0, %dma_start3A, %dma_start3A_52] : memref<2x10112x128xf32, #tpu.memory_space<hbm>> -> memref<1x10112x128xf32, #tpu.memory_space<hbm>>
      %dma_start3A_54 = tpu.memref_squeeze %dma_start3A_53 : memref<1x10112x128xf32, #tpu.memory_space<hbm>> -> memref<10112x128xf32, #tpu.memory_space<hbm>>
      %dma_start3A_55 = arith.constant 0 : i32
      %dma_start3A_56 = tpu.memref_slice %dma_start3A_54[%add3A_47, %dma_start3A_55] : memref<10112x128xf32, #tpu.memory_space<hbm>> -> memref<128x128xf32, #tpu.memory_space<hbm>>
      %dma_start3A_57 = arith.constant 0 : i32
      %dma_start3A_58 = tpu.memref_slice %arg9[%add3A_45, %dma_start3A_57] : memref<10112x128xf32, #tpu.memory_space<vmem_shared>> -> memref<128x128xf32, #tpu.memory_space<vmem_shared>>
      tpu.enqueue_dma source(%dma_start3A_58 : memref<128x128xf32, #tpu.memory_space<vmem_shared>>) target(%dma_start3A_56 : memref<128x128xf32, #tpu.memory_space<hbm>>) target_semaphore(%run_scoped3A : memref<!tpu.dma_semaphore, #tpu.memory_space<semaphore_mem>>)
      %dma_wait3A = arith.constant 0 : i32
      %dma_wait3A_59 = arith.constant 0 : i32
      %dma_wait3A_60 = tpu.memref_slice %arg5[%arg0, %dma_wait3A, %dma_wait3A_59] : memref<2x10112x128xf32, #tpu.memory_space<hbm>> -> memref<1x10112x128xf32, #tpu.memory_space<hbm>>
      %dma_wait3A_61 = tpu.memref_squeeze %dma_wait3A_60 : memref<1x10112x128xf32, #tpu.memory_space<hbm>> -> memref<10112x128xf32, #tpu.memory_space<hbm>>
      %dma_wait3A_62 = arith.constant 0 : i32
      %dma_wait3A_63 = tpu.memref_slice %dma_wait3A_61[%add3A_47, %dma_wait3A_62] : memref<10112x128xf32, #tpu.memory_space<hbm>> -> memref<128x128xf32, #tpu.memory_space<hbm>>
      %dma_wait3A_64 = arith.constant 0 : i32
      %dma_wait3A_65 = tpu.memref_slice %arg9[%add3A_45, %dma_wait3A_64] : memref<10112x128xf32, #tpu.memory_space<vmem_shared>> -> memref<128x128xf32, #tpu.memory_space<vmem_shared>>
      tpu.wait_dma2 semaphore(%run_scoped3A : memref<!tpu.dma_semaphore, #tpu.memory_space<semaphore_mem>>) src(%dma_wait3A_65 : memref<128x128xf32, #tpu.memory_space<vmem_shared>>) dst(%dma_wait3A_63 : memref<128x128xf32, #tpu.memory_space<hbm>>)
      tpu.yield
    }) : () -> ()
    %add3A_48 = arith.constant 512 : i32
    %add3A_49 = arith.addi %mul3A_2, %add3A_48 : i32
    %add3A_50 = arith.constant 512 : i32
    %add3A_51 = arith.addi %mul3A_2, %add3A_50 : i32
    "tpu.region"() ({
      %run_scoped3A = tpu.sem_alloc : memref<!tpu.dma_semaphore, #tpu.memory_space<semaphore_mem>>
      %dma_start3A = arith.constant 0 : i32
      %dma_start3A_52 = arith.constant 0 : i32
      %dma_start3A_53 = tpu.memref_slice %arg5[%arg0, %dma_start3A, %dma_start3A_52] : memref<2x10112x128xf32, #tpu.memory_space<hbm>> -> memref<1x10112x128xf32, #tpu.memory_space<hbm>>
      %dma_start3A_54 = tpu.memref_squeeze %dma_start3A_53 : memref<1x10112x128xf32, #tpu.memory_space<hbm>> -> memref<10112x128xf32, #tpu.memory_space<hbm>>
      %dma_start3A_55 = arith.constant 0 : i32
      %dma_start3A_56 = tpu.memref_slice %dma_start3A_54[%add3A_51, %dma_start3A_55] : memref<10112x128xf32, #tpu.memory_space<hbm>> -> memref<120x128xf32, #tpu.memory_space<hbm>>
      %dma_start3A_57 = arith.constant 0 : i32
      %dma_start3A_58 = tpu.memref_slice %arg9[%add3A_49, %dma_start3A_57] : memref<10112x128xf32, #tpu.memory_space<vmem_shared>> -> memref<120x128xf32, #tpu.memory_space<vmem_shared>>
      tpu.enqueue_dma source(%dma_start3A_58 : memref<120x128xf32, #tpu.memory_space<vmem_shared>>) target(%dma_start3A_56 : memref<120x128xf32, #tpu.memory_space<hbm>>) target_semaphore(%run_scoped3A : memref<!tpu.dma_semaphore, #tpu.memory_space<semaphore_mem>>)
      %dma_wait3A = arith.constant 0 : i32
      %dma_wait3A_59 = arith.constant 0 : i32
      %dma_wait3A_60 = tpu.memref_slice %arg5[%arg0, %dma_wait3A, %dma_wait3A_59] : memref<2x10112x128xf32, #tpu.memory_space<hbm>> -> memref<1x10112x128xf32, #tpu.memory_space<hbm>>
      %dma_wait3A_61 = tpu.memref_squeeze %dma_wait3A_60 : memref<1x10112x128xf32, #tpu.memory_space<hbm>> -> memref<10112x128xf32, #tpu.memory_space<hbm>>
      %dma_wait3A_62 = arith.constant 0 : i32
      %dma_wait3A_63 = tpu.memref_slice %dma_wait3A_61[%add3A_51, %dma_wait3A_62] : memref<10112x128xf32, #tpu.memory_space<hbm>> -> memref<120x128xf32, #tpu.memory_space<hbm>>
      %dma_wait3A_64 = arith.constant 0 : i32
      %dma_wait3A_65 = tpu.memref_slice %arg9[%add3A_49, %dma_wait3A_64] : memref<10112x128xf32, #tpu.memory_space<vmem_shared>> -> memref<120x128xf32, #tpu.memory_space<vmem_shared>>
      tpu.wait_dma2 semaphore(%run_scoped3A : memref<!tpu.dma_semaphore, #tpu.memory_space<semaphore_mem>>) src(%dma_wait3A_65 : memref<120x128xf32, #tpu.memory_space<vmem_shared>>) dst(%dma_wait3A_63 : memref<120x128xf32, #tpu.memory_space<hbm>>)
      tpu.yield
    }) : () -> ()
    return
  }
}

#map = affine_map<(d0, d1) -> (0)>
module attributes {stable_mosaic.version = 14 : i64} {
  func.func @_deg_body(%arg0: i32, %arg1: i32, %arg2: memref<323584xi32, #tpu.memory_space<hbm>>, %arg3: memref<323584xf32, #tpu.memory_space<hbm>>, %arg4: memref<10112xi32, #tpu.memory_space<vmem>>, %arg5: memref<10112xf32, #tpu.memory_space<vmem>>) attributes {dimension_semantics = [#tpu.dimension_semantics<core_parallel>, #tpu.dimension_semantics<subcore_parallel>], iteration_bounds = array<i64: 2, 16>, scalar_prefetch = 0 : i64, scratch_operands = 2 : i64, tpu.core_type = #tpu.core_type<sc_vector_subcore>, window_params = [{transform_indices = #map}, {transform_indices = #map}]} {
    %mul3A = arith.constant 16 : i32
    %mul3A_0 = arith.muli %arg0, %mul3A : i32
    %add3A = arith.addi %mul3A_0, %arg1 : i32
    %broadcast_in_dim3A = arith.constant 0.000000e+00 : f32
    %broadcast_in_dim3A_1 = vector.broadcast %broadcast_in_dim3A : f32 to vector<16xf32>
    %scan3A = arith.constant 0 : i32
    %scan3A_2 = arith.constant 0 : i32
    %scan3A_3 = arith.constant 632 : i32
    %scan3A_4 = arith.addi %scan3A_2, %scan3A_3 : i32
    %scan3A_5 = arith.constant 1 : i32
    %scan3A_6 = scf.for %scan3A_21 = %scan3A_2 to %scan3A_4 step %scan3A_5 iter_args(%scan3A_22 = %scan3A) -> (i32)  : i32 {
      %mul3A_23 = arith.constant 16 : i32
      %mul3A_24 = arith.muli %scan3A_21, %mul3A_23 : i32
      %swap3A = arith.index_cast %mul3A_24 : i32 to index
      %swap3A_25 = tpu.vector_load %arg5[%swap3A] {strides = array<i32>} : memref<10112xf32, #tpu.memory_space<vmem>>, vector<16xf32>,
      tpu.vector_store %arg5[%swap3A], %broadcast_in_dim3A_1 {strides = array<i32>} : memref<10112xf32, #tpu.memory_space<vmem>>, vector<16xf32>,
      %scan3A_26 = arith.constant 0 : i32
      scf.yield %scan3A_26 : i32
    }
    %scan3A_7 = arith.constant 632 : i32
    %mul3A_8 = arith.constant 10112 : i32
    %mul3A_9 = arith.muli %add3A, %mul3A_8 : i32
    "tpu.region"() ({
      %run_scoped3A = tpu.sem_alloc : memref<!tpu.dma_semaphore, #tpu.memory_space<semaphore_mem>>
      %dma_start3A = tpu.memref_slice %arg2[%mul3A_9] : memref<323584xi32, #tpu.memory_space<hbm>> -> memref<10112xi32, #tpu.memory_space<hbm>>
      %dma_start3A_21 = tpu.memref_slice %arg2[%mul3A_9] : memref<323584xi32, #tpu.memory_space<hbm>> -> memref<10112xi32, #tpu.memory_space<hbm>>
      tpu.enqueue_dma source(%dma_start3A_21 : memref<10112xi32, #tpu.memory_space<hbm>>) target(%arg4 : memref<10112xi32, #tpu.memory_space<vmem>>) target_semaphore(%run_scoped3A : memref<!tpu.dma_semaphore, #tpu.memory_space<semaphore_mem>>)
      %dma_wait3A = tpu.memref_slice %arg2[%mul3A_9] : memref<323584xi32, #tpu.memory_space<hbm>> -> memref<10112xi32, #tpu.memory_space<hbm>>
      %dma_wait3A_22 = tpu.memref_slice %arg2[%mul3A_9] : memref<323584xi32, #tpu.memory_space<hbm>> -> memref<10112xi32, #tpu.memory_space<hbm>>
      tpu.wait_dma2 semaphore(%run_scoped3A : memref<!tpu.dma_semaphore, #tpu.memory_space<semaphore_mem>>) src(%dma_wait3A_22 : memref<10112xi32, #tpu.memory_space<hbm>>) dst(%arg4 : memref<10112xi32, #tpu.memory_space<vmem>>)
      tpu.yield
    }) : () -> ()
    %broadcast_in_dim3A_10 = arith.constant 1.000000e+00 : f32
    %broadcast_in_dim3A_11 = vector.broadcast %broadcast_in_dim3A_10 : f32 to vector<16xf32>
    %scan3A_12 = arith.constant 0 : i32
    %scan3A_13 = arith.constant 0 : i32
    %scan3A_14 = arith.constant 632 : i32
    %scan3A_15 = arith.addi %scan3A_13, %scan3A_14 : i32
    %scan3A_16 = arith.constant 1 : i32
    %scan3A_17 = scf.for %scan3A_21 = %scan3A_13 to %scan3A_15 step %scan3A_16 iter_args(%scan3A_22 = %scan3A_12) -> (i32)  : i32 {
      %mul3A_23 = arith.constant 16 : i32
      %mul3A_24 = arith.muli %scan3A_21, %mul3A_23 : i32
      %get3A = arith.index_cast %mul3A_24 : i32 to index
      %get3A_25 = tpu.vector_load %arg4[%get3A] {strides = array<i32>} : memref<10112xi32, #tpu.memory_space<vmem>>, vector<16xi32>,
      tpu.vector_store_idx %arg5[%get3A_25], %broadcast_in_dim3A_11 {add = true} : memref<10112xf32, #tpu.memory_space<vmem>>[vector<16xi32>], vector<16xf32>,
      %scan3A_26 = arith.constant 0 : i32
      scf.yield %scan3A_26 : i32
    }
    %scan3A_18 = arith.constant 632 : i32
    %mul3A_19 = arith.constant 10112 : i32
    %mul3A_20 = arith.muli %add3A, %mul3A_19 : i32
    "tpu.region"() ({
      %run_scoped3A = tpu.sem_alloc : memref<!tpu.dma_semaphore, #tpu.memory_space<semaphore_mem>>
      %dma_start3A = tpu.memref_slice %arg3[%mul3A_20] : memref<323584xf32, #tpu.memory_space<hbm>> -> memref<10112xf32, #tpu.memory_space<hbm>>
      %dma_start3A_21 = tpu.memref_slice %arg3[%mul3A_20] : memref<323584xf32, #tpu.memory_space<hbm>> -> memref<10112xf32, #tpu.memory_space<hbm>>
      tpu.enqueue_dma source(%arg5 : memref<10112xf32, #tpu.memory_space<vmem>>) target(%dma_start3A_21 : memref<10112xf32, #tpu.memory_space<hbm>>) target_semaphore(%run_scoped3A : memref<!tpu.dma_semaphore, #tpu.memory_space<semaphore_mem>>)
      %dma_wait3A = tpu.memref_slice %arg3[%mul3A_20] : memref<323584xf32, #tpu.memory_space<hbm>> -> memref<10112xf32, #tpu.memory_space<hbm>>
      %dma_wait3A_22 = tpu.memref_slice %arg3[%mul3A_20] : memref<323584xf32, #tpu.memory_space<hbm>> -> memref<10112xf32, #tpu.memory_space<hbm>>
      tpu.wait_dma2 semaphore(%run_scoped3A : memref<!tpu.dma_semaphore, #tpu.memory_space<semaphore_mem>>) src(%arg5 : memref<10112xf32, #tpu.memory_space<vmem>>) dst(%dma_wait3A_22 : memref<10112xf32, #tpu.memory_space<hbm>>)
      tpu.yield
    }) : () -> ()
    return
  }
}

module attributes {stable_mosaic.version = 14 : i64} {
  func.func @_combine_body(%arg0: memref<2x10112x128xf32, #tpu.memory_space<vmem>>, %arg1: memref<10112x128xf32, #tpu.memory_space<vmem>>, %arg2: memref<10112x32xf32, #tpu.memory_space<vmem>>, %arg3: memref<10000x128xf32, #tpu.memory_space<vmem>>) attributes {dimension_semantics = [], scalar_prefetch = 0 : i64, scratch_operands = 0 : i64, tpu.core_type = #tpu.core_type<tc>} {
    %get3A = arith.constant 0 : index
    %get3A_0 = arith.constant 0 : index
    %get3A_1 = arith.constant 0 : index
    %get3A_2 = vector.load %arg0[%get3A, %get3A_0, %get3A_1] : memref<2x10112x128xf32, #tpu.memory_space<vmem>>, vector<1x10112x128xf32>
    %get3A_3 = vector.shape_cast %get3A_2 : vector<1x10112x128xf32> to vector<10112x128xf32>
    %get3A_4 = arith.constant 1 : index
    %get3A_5 = arith.constant 0 : index
    %get3A_6 = arith.constant 0 : index
    %get3A_7 = vector.load %arg0[%get3A_4, %get3A_5, %get3A_6] : memref<2x10112x128xf32, #tpu.memory_space<vmem>>, vector<1x10112x128xf32>
    %get3A_8 = vector.shape_cast %get3A_7 : vector<1x10112x128xf32> to vector<10112x128xf32>
    %add3A = arith.addf %get3A_3, %get3A_8 : vector<10112x128xf32>
    %get3A_9 = arith.constant 0 : index
    %get3A_10 = arith.constant 0 : index
    %get3A_11 = vector.load %arg2[%get3A_9, %get3A_10] : memref<10112x32xf32, #tpu.memory_space<vmem>>, vector<10112x32xf32>
    %reduce_sum3A = arith.constant dense<0.000000e+00> : vector<10112xf32>
    %reduce_sum3A_12 = vector.multi_reduction <add>, %get3A_11, %reduce_sum3A [1] : vector<10112x32xf32> to vector<10112xf32>
    %broadcast_in_dim3A = vector.shape_cast %reduce_sum3A_12 : vector<10112xf32> to vector<10112x1xf32>
    %add3A_13 = arith.constant 1.000000e+00 : f32
    %add3A_14 = vector.broadcast %add3A_13 : f32 to vector<10112x1xf32>
    %add3A_15 = arith.addf %broadcast_in_dim3A, %add3A_14 : vector<10112x1xf32>
    %rsqrt3A = math.rsqrt %add3A_15 : vector<10112x1xf32>
    %mul3A = vector.broadcast %rsqrt3A : vector<10112x1xf32> to vector<10112x128xf32>
    %mul3A_16 = arith.mulf %add3A, %mul3A : vector<10112x128xf32>
    %get3A_17 = arith.constant 0 : index
    %get3A_18 = arith.constant 0 : index
    %get3A_19 = vector.load %arg1[%get3A_17, %get3A_18] : memref<10112x128xf32, #tpu.memory_space<vmem>>, vector<10112x128xf32>
    %add3A_20 = arith.addf %mul3A_16, %get3A_19 : vector<10112x128xf32>
    %slice3A = vector.extract_strided_slice %add3A_20 {offsets = [0, 0], sizes = [10000, 128], strides = [1, 1]} : vector<10112x128xf32> to vector<10000x128xf32>
    %max3A = arith.constant 0.000000e+00 : f32
    %max3A_21 = vector.broadcast %max3A : f32 to vector<10000x128xf32>
    %max3A_22 = arith.maximumf %slice3A, %max3A_21 : vector<10000x128xf32>
    %swap3A = arith.constant 0 : index
    %swap3A_23 = arith.constant 0 : index
    %swap3A_24 = vector.load %arg3[%swap3A, %swap3A_23] : memref<10000x128xf32, #tpu.memory_space<vmem>>, vector<10000x128xf32>
    tpu.vector_store %arg3[%swap3A, %swap3A_23], %max3A_22 {strides = array<i32>} : memref<10000x128xf32, #tpu.memory_space<vmem>>, vector<10000x128xf32>,
    return
  }
}

module attributes {stable_mosaic.version = 14 : i64} {
  func.func @_bn_linear_body(%arg0: memref<10112x128xf32, #tpu.memory_space<vmem>>, %arg1: memref<128x128xf32, #tpu.memory_space<vmem>>, %arg2: memref<128xf32, #tpu.memory_space<vmem>>, %arg3: memref<128xf32, #tpu.memory_space<vmem>>, %arg4: memref<128xf32, #tpu.memory_space<vmem>>, %arg5: memref<10112x32xf32, #tpu.memory_space<vmem>>, %arg6: memref<10112x128xf32, #tpu.memory_space<vmem>>, %arg7: memref<10112x128xf32, #tpu.memory_space<vmem>>) attributes {dimension_semantics = [], scalar_prefetch = 0 : i64, scratch_operands = 0 : i64, tpu.core_type = #tpu.core_type<tc>} {
    %get3A = arith.constant 0 : index
    %get3A_0 = arith.constant 0 : index
    %get3A_1 = vector.load %arg0[%get3A, %get3A_0] : memref<10112x128xf32, #tpu.memory_space<vmem>>, vector<10112x128xf32>
    %iota3A = tpu.iota {dimensions = array<i32: 0>} : vector<10112x1xi32>
    %lt3A = arith.constant 10000 : i32
    %lt3A_2 = vector.broadcast %lt3A : i32 to vector<10112x1xi32>
    %lt3A_3 = arith.cmpi slt, %iota3A, %lt3A_2 : vector<10112x1xi32>
    %convert_element_type3A = arith.extui %lt3A_3 : vector<10112x1xi1> to vector<10112x1xi32>
    %convert_element_type3A_4 = arith.sitofp %convert_element_type3A : vector<10112x1xi32> to vector<10112x1xf32>
    %reduce_sum3A = arith.constant dense<0.000000e+00> : vector<128xf32>
    %reduce_sum3A_5 = vector.multi_reduction <add>, %get3A_1, %reduce_sum3A [0] : vector<10112x128xf32> to vector<128xf32>
    %broadcast_in_dim3A = vector.shape_cast %reduce_sum3A_5 : vector<128xf32> to vector<1x128xf32>
    %mul3A = arith.constant 9.99999974E-5 : f32
    %mul3A_6 = vector.broadcast %mul3A : f32 to vector<1x128xf32>
    %mul3A_7 = arith.mulf %broadcast_in_dim3A, %mul3A_6 : vector<1x128xf32>
    %sub3A = vector.broadcast %mul3A_7 : vector<1x128xf32> to vector<10112x128xf32>
    %sub3A_8 = arith.subf %get3A_1, %sub3A : vector<10112x128xf32>
    %mul3A_9 = vector.broadcast %convert_element_type3A_4 : vector<10112x1xf32> to vector<10112x128xf32>
    %mul3A_10 = arith.mulf %sub3A_8, %mul3A_9 : vector<10112x128xf32>
    %mul3A_11 = arith.mulf %mul3A_10, %mul3A_10 : vector<10112x128xf32>
    %reduce_sum3A_12 = arith.constant dense<0.000000e+00> : vector<128xf32>
    %reduce_sum3A_13 = vector.multi_reduction <add>, %mul3A_11, %reduce_sum3A_12 [0] : vector<10112x128xf32> to vector<128xf32>
    %broadcast_in_dim3A_14 = vector.shape_cast %reduce_sum3A_13 : vector<128xf32> to vector<1x128xf32>
    %mul3A_15 = arith.constant 9.99999974E-5 : f32
    %mul3A_16 = vector.broadcast %mul3A_15 : f32 to vector<1x128xf32>
    %mul3A_17 = arith.mulf %broadcast_in_dim3A_14, %mul3A_16 : vector<1x128xf32>
    %add3A = arith.constant 9.99999974E-6 : f32
    %add3A_18 = vector.broadcast %add3A : f32 to vector<1x128xf32>
    %add3A_19 = arith.addf %mul3A_17, %add3A_18 : vector<1x128xf32>
    %rsqrt3A = math.rsqrt %add3A_19 : vector<1x128xf32>
    %get3A_20 = arith.constant 0 : index
    %get3A_21 = vector.load %arg2[%get3A_20] : memref<128xf32, #tpu.memory_space<vmem>>, vector<128xf32>
    %broadcast_in_dim3A_22 = vector.shape_cast %get3A_21 : vector<128xf32> to vector<1x128xf32>
    %mul3A_23 = arith.mulf %rsqrt3A, %broadcast_in_dim3A_22 : vector<1x128xf32>
    %mul3A_24 = vector.broadcast %mul3A_23 : vector<1x128xf32> to vector<10112x128xf32>
    %mul3A_25 = arith.mulf %mul3A_10, %mul3A_24 : vector<10112x128xf32>
    %get3A_26 = arith.constant 0 : index
    %get3A_27 = vector.load %arg3[%get3A_26] : memref<128xf32, #tpu.memory_space<vmem>>, vector<128xf32>
    %broadcast_in_dim3A_28 = vector.shape_cast %get3A_27 : vector<128xf32> to vector<1x128xf32>
    %mul3A_29 = vector.broadcast %broadcast_in_dim3A_28 : vector<1x128xf32> to vector<10112x128xf32>
    %mul3A_30 = vector.broadcast %convert_element_type3A_4 : vector<10112x1xf32> to vector<10112x128xf32>
    %mul3A_31 = arith.mulf %mul3A_29, %mul3A_30 : vector<10112x128xf32>
    %add3A_32 = arith.addf %mul3A_25, %mul3A_31 : vector<10112x128xf32>
    %get3A_33 = arith.constant 0 : index
    %get3A_34 = arith.constant 0 : index
    %get3A_35 = vector.load %arg1[%get3A_33, %get3A_34] : memref<128x128xf32, #tpu.memory_space<vmem>>, vector<128x128xf32>
    %dot_general3A = arith.constant dense<0.000000e+00> : vector<10112x128xf32>
    %dot_general3A_36 = tpu.matmul %add3A_32, %get3A_35, %dot_general3A {dimension_numbers = #tpu.dot_dimension_numbers<[1], [0], [0], [1], [0, 0, 1, 1], [], []>, transpose_lhs_hint = false} : vector<10112x128xf32>, vector<128x128xf32>, vector<10112x128xf32> -> vector<10112x128xf32>
    %get3A_37 = arith.constant 0 : index
    %get3A_38 = arith.constant 0 : index
    %get3A_39 = vector.load %arg5[%get3A_37, %get3A_38] : memref<10112x32xf32, #tpu.memory_space<vmem>>, vector<10112x32xf32>
    %reduce_sum3A_40 = arith.constant dense<0.000000e+00> : vector<10112xf32>
    %reduce_sum3A_41 = vector.multi_reduction <add>, %get3A_39, %reduce_sum3A_40 [1] : vector<10112x32xf32> to vector<10112xf32>
    %broadcast_in_dim3A_42 = vector.shape_cast %reduce_sum3A_41 : vector<10112xf32> to vector<10112x1xf32>
    %add3A_43 = arith.constant 1.000000e+00 : f32
    %add3A_44 = vector.broadcast %add3A_43 : f32 to vector<10112x1xf32>
    %add3A_45 = arith.addf %broadcast_in_dim3A_42, %add3A_44 : vector<10112x1xf32>
    %rsqrt3A_46 = math.rsqrt %add3A_45 : vector<10112x1xf32>
    %mul3A_47 = vector.broadcast %rsqrt3A_46 : vector<10112x1xf32> to vector<10112x128xf32>
    %mul3A_48 = arith.mulf %dot_general3A_36, %mul3A_47 : vector<10112x128xf32>
    %swap3A = arith.constant 0 : index
    %swap3A_49 = arith.constant 0 : index
    %swap3A_50 = vector.load %arg6[%swap3A, %swap3A_49] : memref<10112x128xf32, #tpu.memory_space<vmem>>, vector<10112x128xf32>
    tpu.vector_store %arg6[%swap3A, %swap3A_49], %mul3A_48 {strides = array<i32>} : memref<10112x128xf32, #tpu.memory_space<vmem>>, vector<10112x128xf32>,
    %mul3A_51 = arith.mulf %rsqrt3A_46, %rsqrt3A_46 : vector<10112x1xf32>
    %mul3A_52 = vector.broadcast %mul3A_51 : vector<10112x1xf32> to vector<10112x128xf32>
    %mul3A_53 = arith.mulf %dot_general3A_36, %mul3A_52 : vector<10112x128xf32>
    %get3A_54 = arith.constant 0 : index
    %get3A_55 = vector.load %arg4[%get3A_54] : memref<128xf32, #tpu.memory_space<vmem>>, vector<128xf32>
    %broadcast_in_dim3A_56 = vector.shape_cast %get3A_55 : vector<128xf32> to vector<1x128xf32>
    %add3A_57 = vector.broadcast %broadcast_in_dim3A_56 : vector<1x128xf32> to vector<10112x128xf32>
    %add3A_58 = arith.addf %mul3A_53, %add3A_57 : vector<10112x128xf32>
    %swap3A_59 = arith.constant 0 : index
    %swap3A_60 = arith.constant 0 : index
    %swap3A_61 = vector.load %arg7[%swap3A_59, %swap3A_60] : memref<10112x128xf32, #tpu.memory_space<vmem>>, vector<10112x128xf32>
    tpu.vector_store %arg7[%swap3A_59, %swap3A_60], %add3A_58 {strides = array<i32>} : memref<10112x128xf32, #tpu.memory_space<vmem>>, vector<10112x128xf32>,
    return
  }
}

</mosaic_0001>

<sc_bundles>
// kernel: kernel.6.cloned.1.call-start
scs
__scs_entry_jumppad:
0x0: {  	(pc) =	sbr.rel $0x88, $3  }
0x1: {  	(tag) =	ssettag $0x0;
	lr =	simm.s32 $0x1  }
0x2: {  	[smem:$0x3F9B] =	sst lr;
	_ =	strace $0xD0000000  }
0x3: {  	_ = 	snop  }
0x4: {  	_ = 	snop  }
0x5: {  	_ = 	snop  }
0x6: {  	_ = 	snop  }
0x7: {  	_ = 	snop  }
__scs_overlays_trampoline_lowered:
0x8: {  	[smem:$0x3FAA] =	sst s0  }
0x9: {  	[smem:$0x3FAB] =	sst s1  }
0xa: {  	[smem:$0x3FAC] =	sst s2  }
0xb: {  	[smem:$0x3FAD] =	sst s3  }
0xc: {  	[smem:$0x3FAE] =	sst s4  }
0xd: {  	[smem:$0x3FAF] =	sst s5  }
0xe: {  	[smem:$0x3FB0] =	sst s6  }
0xf: {  	[smem:$0x3FB1] =	sst s7  }
0x10: {  	[smem:$0x3FB2] =	sst s8  }
0x11: {  	[smem:$0x3FB3] =	sst s9;
	s0 =	simm.s32 @!p0 $0x0  }
0x12: {  	s1 =	sld [smem:$0x3F99];
	s0 =	simm.s32 @p0 $0x1  }
0x13: {  	[smem:$0x3FB4] =	sst s0;
	s0 =	simm.s32 @!p1 $0x0  }
0x14: {  	s2 =	sld [smem:$0x3F98];
	s0 =	simm.s32 @p1 $0x1  }
0x15: {  	[smem:$0x3FB5] =	sst s0;
	s0 =	simm.s32 @!p2 $0x0  }
0x16: {  	s3 =	sld [smem:$0x3FDB];
	s0 =	simm.s32 @p2 $0x1  }
0x17: {  	s4 =	simm.s32 $0x1BF5;
	[smem:$0x3FB7] =	sst s0  }
0x18: {  	s0 =	sld [smem:$0x3F9A];
	_ =	swait.ge [sflag:s4], $0x0  }
0x19: {  	s7 =	sld [smem:$0x3F9B]  }
0x1a: {  	s8 =	sadd.s32 $0xFFFFE003, lr  }
0x1b: {  	s9 =	sadd.s32 $0xFFFFFEF7, lr;
	s5 =	simm.s32 $0xFFFFFFFF;
	p2 =	slt.u32 s8, $0xFFFFF086  }
0x1c: {  	p1 =	slt.u32 s9, $0xF7A;
	s5 =	simm.s32 @!p2 $0x0  }
0x1d: {  	s5 =	simm.s32 @p1 $0x1;
	p0 =	seq.s32 s7, s2  }
0x1e: {  	s7 =	smul.u32 @!p0 $0xF7A, s2;
	p2 =	seq.s32 @!p0 s5, $0x0  }
0x1f: {  	s9 =	smul.u32 $0xF7A, s1;
	s8 =	simm.s32 @!p0 $0x1BF5;
	p2 =	por !p2, p0  }
0x20: {  	[sflag:s8] =	ssyncset.s32 @!p0 $0xFFFFF086;
	s6 =	sadd.s32 @!p0 s3, s7;
	s7 =	simm.s32 @!p0 $0x108  }
0x21: {  	s3 =	sadd.s32 s3, s9;
	s6 =	sadd.s32 @!p0 $0x88, s6;
	s7 =	simm.s32 @p2 $0x1082  }
0x22: {  	[simem:s7], [sflag:s8] =	dma.local @!p0 [hbm:s6], $0xF7A  }
0x23: {  	s9 =	sor.u32 $0xD0000000, s2;
	s6 =	simm.s32 $0x108;
	_ =	swait.ge @!p0 [sflag:s8], $0x0  }
0x24: {  	s3 =	sadd.s32 $0x88, s3;
	s6 =	simm.s32 @!p1 $0x1082;
	[sflag:s4] =	ssyncset.s32 $0xFFFFF086  }
0x25: {  	[simem:s6], [sflag:s4] =	dma.local [hbm:s3], $0xF7A  }
0x26: {  	[smem:$0x3F9B] =	sst s1;
	(tag) =	ssettag s2;
	_ =	strace s9  }
0x27: {  	s1 =	sld [smem:$0x3FAB]  }
0x28: {  	s2 =	sld [smem:$0x3FAC]  }
0x29: {  	s4 =	sld [smem:$0x3FAE]  }
0x2a: {  	p0 =	seq.s32 s5, $0x0;
	s5 =	sld [smem:$0x3FAF]  }
0x2b: {  	s6 =	sld [smem:$0x3FB0]  }
0x2c: {  	s7 =	sld [smem:$0x3FB1]  }
0x2d: {  	s3 =	simm.s32 $0x108;
	s8 =	sld [smem:$0x3FB2]  }
0x2e: {  	s3 =	simm.s32 @!p0 $0x1082;
	s9 =	sld [smem:$0x3FB3]  }
0x2f: {  	lr =	sadd.s32 s0, s3;
	s0 =	sld [smem:$0x3FAA]  }
0x30: {  	s3 =	sld [smem:$0x3FAD]  }
0x31: {  	[smem:$0x3FB6] =	sst s10  }
0x32: {  	s10 =	sld [smem:$0x3FB4];
	_ =	sdelay $0x3  }
0x33: {  	p0 =	seq.s32 s10, $0x1;
	s10 =	sld [smem:$0x3FB6];
	_ =	sdelay $0x3  }
0x34: {  	[smem:$0x3FB6] =	sst s10  }
0x35: {  	s10 =	sld [smem:$0x3FB5];
	_ =	sdelay $0x3  }
0x36: {  	p1 =	seq.s32 s10, $0x1;
	s10 =	sld [smem:$0x3FB6];
	_ =	sdelay $0x3  }
0x37: {  	[smem:$0x3FB6] =	sst s10  }
0x38: {  	s10 =	sld [smem:$0x3FB7]  }
0x39: {  	_ = 	snop;
	(pc) =	sbr.ind lr, $3  }
0x3a: {  	_ = 	snop  }
0x3b: {  	_ = 	snop  }
0x3c: {  	p2 =	seq.s32 s10, $0x1;
	s10 =	sld [smem:$0x3FB6]  }
0x3d: {  	_ =	shalt  }
0x3e: {  	_ =	shalt  }
0x3f: {  	_ =	shalt  }
0x40: {  	_ =	shalt  }
0x41: {  	_ =	shalt  }
0x42: {  	_ =	shalt  }
0x43: {  	_ =	shalt  }
0x44: {  	_ =	shalt  }
0x45: {  	_ =	shalt  }
0x46: {  	_ =	shalt  }
0x47: {  	_ =	shalt  }
0x48: {  	_ =	shalt  }
0x49: {  	_ =	shalt  }
0x4a: {  	_ =	shalt  }
0x4b: {  	_ =	shalt  }
0x4c: {  	_ =	shalt  }
0x4d: {  	_ =	shalt  }
0x4e: {  	_ =	shalt  }
0x4f: {  	_ =	shalt  }
0x50: {  	_ =	shalt  }
0x51: {  	_ =	shalt  }
0x52: {  	_ =	shalt  }
0x53: {  	_ =	shalt  }
0x54: {  	_ =	shalt  }
0x55: {  	_ =	shalt  }
0x56: {  	_ =	shalt  }
0x57: {  	_ =	shalt  }
0x58: {  	_ =	shalt  }
0x59: {  	_ =	shalt  }
0x5a: {  	_ =	shalt  }
0x5b: {  	_ =	shalt  }
0x5c: {  	_ =	shalt  }
0x5d: {  	_ =	shalt  }
0x5e: {  	_ =	shalt  }
0x5f: {  	_ =	shalt  }
0x60: {  	_ =	shalt  }
0x61: {  	_ =	shalt  }
0x62: {  	_ =	shalt  }
0x63: {  	_ =	shalt  }
0x64: {  	_ =	shalt  }
0x65: {  	_ =	shalt  }
0x66: {  	_ =	shalt  }
0x67: {  	_ =	shalt  }
0x68: {  	_ =	shalt  }
0x69: {  	_ =	shalt  }
0x6a: {  	_ =	shalt  }
0x6b: {  	_ =	shalt  }
0x6c: {  	_ =	shalt  }
0x6d: {  	_ =	shalt  }
0x6e: {  	_ =	shalt  }
0x6f: {  	_ =	shalt  }
0x70: {  	_ =	shalt  }
0x71: {  	_ =	shalt  }
0x72: {  	_ =	shalt  }
0x73: {  	_ =	shalt  }
0x74: {  	_ =	shalt  }
0x75: {  	_ =	shalt  }
0x76: {  	_ =	shalt  }
0x77: {  	_ =	shalt  }
0x78: {  	_ =	shalt  }
0x79: {  	_ =	shalt  }
0x7a: {  	_ =	shalt  }
0x7b: {  	_ =	shalt  }
0x7c: {  	_ =	shalt  }
0x7d: {  	_ =	shalt  }
0x7e: {  	_ =	shalt  }
0x7f: {  	_ =	shalt  }
0x80: {  	_ =	shalt  }
0x81: {  	_ =	shalt  }
0x82: {  	_ =	shalt  }
0x83: {  	_ =	shalt  }
0x84: {  	_ =	shalt  }
0x85: {  	_ =	shalt  }
0x86: {  	_ =	shalt  }
0x87: {  	_ =	shalt  }
.Lfunc_end0:
.L_simem_size_0:
called_computation_lowered:
.L_overlay_start_0:
0x88: {  	s2 =	sld [smem:$0x3FD9]  }
0x89: {  	s3 =	sld [smem:$0x3FFE];
	_ =	sdelay $0x1  }
0x8a: {  	s1 =	srdreg.scid  }
0x8b: {  	s0 =	sand.u32 $0x1, s1  }
0x8c: {  	s17 =	sshll.u32 s0, $0xA;
	s2 =	sadd.s32 s3, s2  }
0x8d: {  	s2 =	sadd.s32 s2, s17  }
0x8e: {  	[smem:$0x3FC2] =	sst s2  }
0x8f: {  	_ = 	snop  }
0x90: {  	s2 =	sld [smem:$0x3FD0];
	(tm) =	ssettm $0x1  }
0x91: {  	s18 =	sld [smem:$0x3FFB];
	_ =	sdelay $0x3  }
0x92: {  	_ =	strace s18  }
0x93: {  	s3 =	sld [smem:$0x3FFC];
	_ =	sdelay $0x3  }
0x94: {  	_ =	strace s3  }
0x95: {  	s3 =	sld [smem:$0x3FFD];
	_ =	sdelay $0x3  }
0x96: {  	_ =	strace s3  }
0x97: {  	_ =	strace $0x8FFFFFFF  }
0x98: {  	s19 =	sld [smem:$0x3FDB];
	_ =	sdelay $0x1  }
0x99: {  	s4 =	simm.s32 $_scs_section_size  }
0x9a: {  	s5 =	simm.s32 $_size__tile_overlayer_lowered;
	s6 =	simm.s32 $_tile_overlayer_lowered  }
0x9b: {  	s22 =	simm.s32 $0x1BFF;
	s21 =	sshll.u32 s6, $0x1;
	s3 =	sadd.s32 s4, s19  }
0x9c: {  	s7 =	simm.s32 $0x0;
	s20 =	sshll.u32 s5, $0x1;
	s5 =	sadd.s32 s21, s3  }
0x9d: {  	[timem:s7], [sflag:s22] =	dma.local [hbm:s5], s20  }
0x9e: {  	_ =	swait.ge [sflag:s22], s20  }
0x9f: {  	s4 =	ssub.s32 $0x0, s20;
	[sflag:s22] =	ssyncset.done $0x0  }
0xa0: {  	[sflag:s22] =	ssyncadd.s32 s4;
	_ =	sdelay $0x1  }
0xa1: {  	s23 =	simm.s32 $0x1B8B  }
0xa2: {  	_ =	swait.ge [sflag:s23], $0x1  }
0xa3: {  	[sflag:s23] =	ssyncset.done $0x0  }
0xa4: {  	s25 =	simm.s32 $0x1B8E;
	s24 =	sld [smem:$0x3FFE];
	[sflag:s23] =	ssyncadd.s32 $0xFFFFFFFF  }
0xa5: {  	s26 =	simm.s32 $execute0_lowered;
	[smem:$0x3FD2] =	sst s25  }
0xa6: {  	s5 =	sshll.u32 s26, $0x1;
	_ =	strace $0x80000046;
	[dreg:$0x1] =	wrdreg $0xFFFFFFFF  }
0xa7: {  	s28 =	simm.s32 $_size_execute0_lowered;
	s3 =	sadd.s32 s3, s5;
	[dreg:$0x0] =	wrdreg $0x0  }
0xa8: {  	s5 =	sshll.u32 s28, $0x1;
	[dreg:$0x2] =	wrdreg s3  }
0xa9: {  	[dreg:$0x3] =	wrdreg s5  }
0xaa: {  	[dreg:$0x4] =	wrdreg $0xC0  }
0xab: {  	_ =	task [dreg:s7], $0x5FFFF  }
0xac: {  	[dreg:$0x1] =	wrdreg $0xFFFFFFFF  }
0xad: {  	[dreg:$0x0] =	wrdreg $0x60  }
0xae: {  	[dreg:$0x2] =	wrdreg s2  }
0xaf: {  	[dreg:$0x3] =	wrdreg s24  }
0xb0: {  	[dreg:$0x4] =	wrdreg $0x9  }
0xb1: {  	_ =	task.clear_ibuf [dreg:s7], $0x5FFFF;
	_ =	strace $0x90000046  }
0xb2: {  	s29 =	simm.s32 $0x9;
	_ =	strace $0x80000048  }
0xb3: {  	_ =	swait.ge [sflag:s29], $0x1  }
0xb4: {  	[sflag:s29] =	ssyncadd.s32 $0xFFFFFFFF  }
0xb5: {  	_ =	strace $0x90000048  }
0xb6: {  	_ =	sfence  }
0xb7: {  	s30 =	sld [smem:$0x0];
	_ =	sdelay $0x2  }
0xb8: {  	s31 =	sshll.u32 s1, $0xD;
	s1 =	sshrl.u32 s1, $0x2  }
0xb9: {  	s3 =	sand.u32 $0x4000, s31;
	s1 =	sadd.s32 s1, s30  }
0xba: {  	s0 =	sor.u32 s3, s0;
	s1 =	sshll.u32 s1, $0x11  }
0xbb: {  	s0 =	sor.u32 s1, s0  }
0xbc: {  	s0 =	sadd.s32 $0x8F2B, s0  }
0xbd: {  	[sflag:s0] =	ssyncadd.remote.s32 $0x1  }
0xbe: {  	_ =	sfence.sel $0xFFFF  }
0xbf: {  	[dreg:$0x0] =	wrdreg $0xFFFFFFFF;
	(pc) =	sbr.abs _section_cstart, $3  }
0xc0: {  	[dreg:$0x1] =	wrdreg $0xFFFFFFFF  }
0xc1: {  	_ =	task.clear_ibuf [dreg:s7], $0x2FFFF;
	_ =	strace $0x9FFFFFFF  }
0xc2: {  	(tm) =	ssettm $0x7FFFFFFF  }
0xc3: {  	_ =	shalt  }
tec
execute0_lowered:
.L_overlay_start_1:
0x0: {  	(tag) =	ssettag $0x1  }
0x1: {  	s0 =	srdreg.scid;
	s3 =	rddreg [dreg:$0x0]  }
0x2: {  	s5 =	rddreg [dreg:$0x1];
	s4 =	sand.u32 $0x1, s0  }
0x3: {  	s1 =	stileid.u32;
	s8 =	simm.s32 $0x0;
	s2 =	sshll.u32 s4, $0x4  }
0x4: {  	s4 =	ssub.s32 $0x2, s4;
	s6 =	sor.u32 s1, s2;
	s2 =	simm.s32 $0x0  }
0x5: {  	s7 =	sshrl.u32 s4, $0x1;
	s6 =	smul.u32 $0x4F0, s6;
	[smem:$0x7FF] =	sst s2  }
0x6: {  	s0 =	rddreg [dreg:$0x2];
	s7 =	ssub.s32 s4, s7;
	_ =	strace $0x80000047  }
0x7: {  	s5 =	sadd.s32 s6, s5;
	s3 =	sadd.s32 s3, s6;
	s6 =	simm.s32 $0x1  }
0x8: {  	v0 =	vimm.f32 $0.0e+00;
	v1 =	vimm.f32 $1.000000000e+00;
	s4 =	sadd.s32 $0x1600, s5;
	s5 =	smax.u32 s7, $0x1;
	s7 =	simm.s32 $0x2780  }
.LBB2_1:
0x9: {  	s9 =	simm.s32 $0x40;
	s10 =	simm.s32 $0x0  }
.LBB2_2:
0xa: {  	p0 =	sne.s32 s9, $0x9DC0;
	[tilespmem:s10+$0x2780] =	vst v0;
	s10 =	smov.u32 s9;
	s9 =	sadd.s32 $0x40, s9  }
.Ltmp0:
0xb: {  	(pc) =	sbr.rel @p0 .LBB2_2-.Ltmp0, $2  }
0xc: {  	_ =	sdelay $0x2  }
0xd: {  	s10 =	sshra.s32 s10, $0x2  }
0xe: {  	[tilespmem:s10+$0x2780] =	vst v0;
	s9 =	simm.s32 $0x0  }
0xf: {  	[tilespmem:s9], [sflag:$0x1] =	stream.linear.gather [hbm4b:s3+s9], $0x2780, $0x38;
	[tilespmem:$0x4F00] =	vst v63  }
0x10: {  	_ =	swait.ge [sflag:s6], $0x2780  }
0x11: {  	[sflag:s6] =	ssyncset.done $0x0  }
0x12: {  	s10 =	simm.s32 $0x0;
	s9 =	simm.s32 $0x40;
	[sflag:s6] =	ssyncadd.s32 $0xFFFFD880  }
.LBB2_4:
0x13: {  	p0 =	sne.s32 s9, $0x9DC0;
	v2 =	vld [tilespmem:s10+$0x0];
	_ =	sdelay $0x3  }
.Ltmp1:
0x14: {  	(pc) =	sbr.rel @p0 .LBB2_4-.Ltmp1, $2  }
0x15: {  	_ =	sdelay $0x2  }
0x16: {  	s10 =	sshra.s32 s9, $0x2;
	s9 =	sadd.s32 $0x40, s9;
	[tilespmem:v2+s7+$0x0] =	vst.idx.add.f32.msk $0xffff, v1  }
0x17: {  	v2 =	vld [tilespmem:s10+$0x0];
	_ =	sdelay $0x5  }
0x18: {  	s8 =	sadd.s32 $0x1, s8  }
0x19: {  	p0 =	sne.s32 s8, s5  }
.Ltmp2:
0x1a: {  	[tilespmem:v2+s7+$0x0] =	vst.idx.add.f32.msk $0xffff, v1;
	(pc) =	sbr.rel @p0 .LBB2_1-.Ltmp2, $4  }
0x1b: {  	[hbm4b:s4+s2] =	stream.linear.scatter [tilespmem:s7], [sflag:$0x1], $0x2780, $0x38;
	[tilespmem:$0x4F00] =	vst v63  }
0x1c: {  	_ =	swait.ge [sflag:s6], $0x2780  }
0x1d: {  	[sflag:s6] =	ssyncset.done $0x0  }
0x1e: {  	[sflag:s6] =	ssyncadd.s32 $0xFFFFD880  }
0x1f: {  	_ =	sfence.sel $0x180000  }
0x20: {  	[bflag:$0x0] =	sbarrier.arrive $0xFFFF  }
0x21: {  	p0 =	sne.s32 s1, $0x0;
	_ =	strace $0x90000047  }
0x22: {  	s0 =	sadd.s32 @!p0 $0x100000, s0;
	[bflag:$0x2] =	sbarrier.arrive $0xFFFF  }
0x23: {  	[sflag:s0] =	ssyncadd.tile.s32 @!p0 $0x1;
	_ =	shalt  }
.Lfunc_end2:
_tile_overlayer_lowered:
.L_overlay_start_2:
0x24: {  	(tag) =	ssettag $0x2  }
0x25: {  	s0 =	rddreg [dreg:$0x0];
	s2 =	stileid.u32  }
0x26: {  	s1 =	rddreg [dreg:$0x1];
	p0 =	sne.s32 s2, $0x0  }
0x27: {  	s3 =	rddreg [dreg:$0x2];
	[bflag:$0x3] =	sbarrier.arrive $0xFFFF;
	s2 =	simm.s32 @!p0 $0x1C01  }
0x28: {  	[timem:s3], [sflag:s2] =	dma.local @!p0 [hbm:s0], s1  }
0x29: {  	s0 =	simm.s32 @!p0 $0x1  }
0x2a: {  	_ =	swait.ge @!p0 [sflag:s0], s1  }
0x2b: {  	s1 =	ssub.s32 @!p0 $0x0, s1;
	[sflag:s0] =	ssyncset.done @!p0 $0x0  }
0x2c: {  	[sflag:s0] =	ssyncadd.s32 @!p0 s1  }
0x2d: {  	[bflag:$0x3] =	sbarrier.arrive $0xFFFF  }
0x2e: {  	_ =	shalt  }

// kernel: kernel.9.cloned.1.call-start
scs
__scs_entry_jumppad:
0x0: {  	(pc) =	sbr.rel $0x88, $3  }
0x1: {  	(tag) =	ssettag $0x0;
	lr =	simm.s32 $0x1  }
0x2: {  	[smem:$0x3F9B] =	sst lr;
	_ =	strace $0xD0000000  }
0x3: {  	_ = 	snop  }
0x4: {  	_ = 	snop  }
0x5: {  	_ = 	snop  }
0x6: {  	_ = 	snop  }
0x7: {  	_ = 	snop  }
__scs_overlays_trampoline_lowered:
0x8: {  	[smem:$0x3FAA] =	sst s0  }
0x9: {  	[smem:$0x3FAB] =	sst s1  }
0xa: {  	[smem:$0x3FAC] =	sst s2  }
0xb: {  	[smem:$0x3FAD] =	sst s3  }
0xc: {  	[smem:$0x3FAE] =	sst s4  }
0xd: {  	[smem:$0x3FAF] =	sst s5  }
0xe: {  	[smem:$0x3FB0] =	sst s6  }
0xf: {  	[smem:$0x3FB1] =	sst s7  }
0x10: {  	[smem:$0x3FB2] =	sst s8  }
0x11: {  	[smem:$0x3FB3] =	sst s9;
	s0 =	simm.s32 @!p0 $0x0  }
0x12: {  	s1 =	sld [smem:$0x3F99];
	s0 =	simm.s32 @p0 $0x1  }
0x13: {  	[smem:$0x3FB4] =	sst s0;
	s0 =	simm.s32 @!p1 $0x0  }
0x14: {  	s2 =	sld [smem:$0x3F98];
	s0 =	simm.s32 @p1 $0x1  }
0x15: {  	[smem:$0x3FB5] =	sst s0;
	s0 =	simm.s32 @!p2 $0x0  }
0x16: {  	s3 =	sld [smem:$0x3FDB];
	s0 =	simm.s32 @p2 $0x1  }
0x17: {  	s4 =	simm.s32 $0x1BF5;
	[smem:$0x3FB7] =	sst s0  }
0x18: {  	s0 =	sld [smem:$0x3F9A];
	_ =	swait.ge [sflag:s4], $0x0  }
0x19: {  	s7 =	sld [smem:$0x3F9B]  }
0x1a: {  	s8 =	sadd.s32 $0xFFFFE003, lr  }
0x1b: {  	s9 =	sadd.s32 $0xFFFFFEF7, lr;
	s5 =	simm.s32 $0xFFFFFFFF;
	p2 =	slt.u32 s8, $0xFFFFF086  }
0x1c: {  	p1 =	slt.u32 s9, $0xF7A;
	s5 =	simm.s32 @!p2 $0x0  }
0x1d: {  	s5 =	simm.s32 @p1 $0x1;
	p0 =	seq.s32 s7, s2  }
0x1e: {  	s7 =	smul.u32 @!p0 $0xF7A, s2;
	p2 =	seq.s32 @!p0 s5, $0x0  }
0x1f: {  	s9 =	smul.u32 $0xF7A, s1;
	s8 =	simm.s32 @!p0 $0x1BF5;
	p2 =	por !p2, p0  }
0x20: {  	[sflag:s8] =	ssyncset.s32 @!p0 $0xFFFFF086;
	s6 =	sadd.s32 @!p0 s3, s7;
	s7 =	simm.s32 @!p0 $0x108  }
0x21: {  	s3 =	sadd.s32 s3, s9;
	s6 =	sadd.s32 @!p0 $0x88, s6;
	s7 =	simm.s32 @p2 $0x1082  }
0x22: {  	[simem:s7], [sflag:s8] =	dma.local @!p0 [hbm:s6], $0xF7A  }
0x23: {  	s9 =	sor.u32 $0xD0000000, s2;
	s6 =	simm.s32 $0x108;
	_ =	swait.ge @!p0 [sflag:s8], $0x0  }
0x24: {  	s3 =	sadd.s32 $0x88, s3;
	s6 =	simm.s32 @!p1 $0x1082;
	[sflag:s4] =	ssyncset.s32 $0xFFFFF086  }
0x25: {  	[simem:s6], [sflag:s4] =	dma.local [hbm:s3], $0xF7A  }
0x26: {  	[smem:$0x3F9B] =	sst s1;
	(tag) =	ssettag s2;
	_ =	strace s9  }
0x27: {  	s1 =	sld [smem:$0x3FAB]  }
0x28: {  	s2 =	sld [smem:$0x3FAC]  }
0x29: {  	s4 =	sld [smem:$0x3FAE]  }
0x2a: {  	p0 =	seq.s32 s5, $0x0;
	s5 =	sld [smem:$0x3FAF]  }
0x2b: {  	s6 =	sld [smem:$0x3FB0]  }
0x2c: {  	s7 =	sld [smem:$0x3FB1]  }
0x2d: {  	s3 =	simm.s32 $0x108;
	s8 =	sld [smem:$0x3FB2]  }
0x2e: {  	s3 =	simm.s32 @!p0 $0x1082;
	s9 =	sld [smem:$0x3FB3]  }
0x2f: {  	lr =	sadd.s32 s0, s3;
	s0 =	sld [smem:$0x3FAA]  }
0x30: {  	s3 =	sld [smem:$0x3FAD]  }
0x31: {  	[smem:$0x3FB6] =	sst s10  }
0x32: {  	s10 =	sld [smem:$0x3FB4];
	_ =	sdelay $0x3  }
0x33: {  	p0 =	seq.s32 s10, $0x1;
	s10 =	sld [smem:$0x3FB6];
	_ =	sdelay $0x3  }
0x34: {  	[smem:$0x3FB6] =	sst s10  }
0x35: {  	s10 =	sld [smem:$0x3FB5];
	_ =	sdelay $0x3  }
0x36: {  	p1 =	seq.s32 s10, $0x1;
	s10 =	sld [smem:$0x3FB6];
	_ =	sdelay $0x3  }
0x37: {  	[smem:$0x3FB6] =	sst s10  }
0x38: {  	s10 =	sld [smem:$0x3FB7]  }
0x39: {  	_ = 	snop;
	(pc) =	sbr.ind lr, $3  }
0x3a: {  	_ = 	snop  }
0x3b: {  	_ = 	snop  }
0x3c: {  	p2 =	seq.s32 s10, $0x1;
	s10 =	sld [smem:$0x3FB6]  }
0x3d: {  	_ =	shalt  }
0x3e: {  	_ =	shalt  }
0x3f: {  	_ =	shalt  }
0x40: {  	_ =	shalt  }
0x41: {  	_ =	shalt  }
0x42: {  	_ =	shalt  }
0x43: {  	_ =	shalt  }
0x44: {  	_ =	shalt  }
0x45: {  	_ =	shalt  }
0x46: {  	_ =	shalt  }
0x47: {  	_ =	shalt  }
0x48: {  	_ =	shalt  }
0x49: {  	_ =	shalt  }
0x4a: {  	_ =	shalt  }
0x4b: {  	_ =	shalt  }
0x4c: {  	_ =	shalt  }
0x4d: {  	_ =	shalt  }
0x4e: {  	_ =	shalt  }
0x4f: {  	_ =	shalt  }
0x50: {  	_ =	shalt  }
0x51: {  	_ =	shalt  }
0x52: {  	_ =	shalt  }
0x53: {  	_ =	shalt  }
0x54: {  	_ =	shalt  }
0x55: {  	_ =	shalt  }
0x56: {  	_ =	shalt  }
0x57: {  	_ =	shalt  }
0x58: {  	_ =	shalt  }
0x59: {  	_ =	shalt  }
0x5a: {  	_ =	shalt  }
0x5b: {  	_ =	shalt  }
0x5c: {  	_ =	shalt  }
0x5d: {  	_ =	shalt  }
0x5e: {  	_ =	shalt  }
0x5f: {  	_ =	shalt  }
0x60: {  	_ =	shalt  }
0x61: {  	_ =	shalt  }
0x62: {  	_ =	shalt  }
0x63: {  	_ =	shalt  }
0x64: {  	_ =	shalt  }
0x65: {  	_ =	shalt  }
0x66: {  	_ =	shalt  }
0x67: {  	_ =	shalt  }
0x68: {  	_ =	shalt  }
0x69: {  	_ =	shalt  }
0x6a: {  	_ =	shalt  }
0x6b: {  	_ =	shalt  }
0x6c: {  	_ =	shalt  }
0x6d: {  	_ =	shalt  }
0x6e: {  	_ =	shalt  }
0x6f: {  	_ =	shalt  }
0x70: {  	_ =	shalt  }
0x71: {  	_ =	shalt  }
0x72: {  	_ =	shalt  }
0x73: {  	_ =	shalt  }
0x74: {  	_ =	shalt  }
0x75: {  	_ =	shalt  }
0x76: {  	_ =	shalt  }
0x77: {  	_ =	shalt  }
0x78: {  	_ =	shalt  }
0x79: {  	_ =	shalt  }
0x7a: {  	_ =	shalt  }
0x7b: {  	_ =	shalt  }
0x7c: {  	_ =	shalt  }
0x7d: {  	_ =	shalt  }
0x7e: {  	_ =	shalt  }
0x7f: {  	_ =	shalt  }
0x80: {  	_ =	shalt  }
0x81: {  	_ =	shalt  }
0x82: {  	_ =	shalt  }
0x83: {  	_ =	shalt  }
0x84: {  	_ =	shalt  }
0x85: {  	_ =	shalt  }
0x86: {  	_ =	shalt  }
0x87: {  	_ =	shalt  }
.Lfunc_end0:
.L_simem_size_0:
called_computation.1_lowered:
.L_overlay_start_0:
0x88: {  	s2 =	sld [smem:$0x3FD9]  }
0x89: {  	s3 =	sld [smem:$0x3FFE];
	_ =	sdelay $0x1  }
0x8a: {  	s1 =	srdreg.scid  }
0x8b: {  	s0 =	sand.u32 $0x1, s1  }
0x8c: {  	s17 =	sshll.u32 s0, $0xA;
	s2 =	sadd.s32 s3, s2  }
0x8d: {  	s2 =	sadd.s32 s2, s17  }
0x8e: {  	[smem:$0x3FC2] =	sst s2  }
0x8f: {  	_ = 	snop  }
0x90: {  	s2 =	sld [smem:$0x3FD0];
	(tm) =	ssettm $0x1  }
0x91: {  	s18 =	sld [smem:$0x3FFB];
	_ =	sdelay $0x3  }
0x92: {  	_ =	strace s18  }
0x93: {  	s3 =	sld [smem:$0x3FFC];
	_ =	sdelay $0x3  }
0x94: {  	_ =	strace s3  }
0x95: {  	s3 =	sld [smem:$0x3FFD];
	_ =	sdelay $0x3  }
0x96: {  	_ =	strace s3  }
0x97: {  	_ =	strace $0x8FFFFFFF  }
0x98: {  	s19 =	sld [smem:$0x3FDB];
	_ =	sdelay $0x1  }
0x99: {  	s4 =	simm.s32 $_scs_section_size  }
0x9a: {  	s5 =	simm.s32 $_size__tile_overlayer_lowered;
	s6 =	simm.s32 $_tile_overlayer_lowered  }
0x9b: {  	s22 =	simm.s32 $0x1BFF;
	s21 =	sshll.u32 s6, $0x1;
	s3 =	sadd.s32 s4, s19  }
0x9c: {  	s7 =	simm.s32 $0x0;
	s20 =	sshll.u32 s5, $0x1;
	s5 =	sadd.s32 s21, s3  }
0x9d: {  	[timem:s7], [sflag:s22] =	dma.local [hbm:s5], s20  }
0x9e: {  	_ =	swait.ge [sflag:s22], s20  }
0x9f: {  	s4 =	ssub.s32 $0x0, s20;
	[sflag:s22] =	ssyncset.done $0x0  }
0xa0: {  	[sflag:s22] =	ssyncadd.s32 s4;
	_ =	sdelay $0x1  }
0xa1: {  	s23 =	simm.s32 $0x1B8B  }
0xa2: {  	_ =	swait.ge [sflag:s23], $0x1  }
0xa3: {  	[sflag:s23] =	ssyncset.done $0x0  }
0xa4: {  	s25 =	simm.s32 $0x1B8E;
	s24 =	sld [smem:$0x3FFE];
	[sflag:s23] =	ssyncadd.s32 $0xFFFFFFFF  }
0xa5: {  	s26 =	simm.s32 $execute0_lowered;
	[smem:$0x3FD2] =	sst s25  }
0xa6: {  	s5 =	sshll.u32 s26, $0x1;
	_ =	strace $0x80000049;
	[dreg:$0x1] =	wrdreg $0xFFFFFFFF  }
0xa7: {  	s28 =	simm.s32 $_size_execute0_lowered;
	s3 =	sadd.s32 s3, s5;
	[dreg:$0x0] =	wrdreg $0x0  }
0xa8: {  	s5 =	sshll.u32 s28, $0x1;
	[dreg:$0x2] =	wrdreg s3  }
0xa9: {  	[dreg:$0x3] =	wrdreg s5  }
0xaa: {  	[dreg:$0x4] =	wrdreg $0xC0  }
0xab: {  	_ =	task [dreg:s7], $0x5FFFF  }
0xac: {  	[dreg:$0x1] =	wrdreg $0xFFFFFFFF  }
0xad: {  	[dreg:$0x0] =	wrdreg $0x60  }
0xae: {  	[dreg:$0x2] =	wrdreg s24  }
0xaf: {  	[dreg:$0x3] =	wrdreg s2  }
0xb0: {  	[dreg:$0x4] =	wrdreg $0x8F000  }
0xb1: {  	[dreg:$0x5] =	wrdreg $0x9  }
0xb2: {  	_ =	task.clear_ibuf [dreg:s7], $0x6FFFF;
	_ =	strace $0x90000049  }
0xb3: {  	s29 =	simm.s32 $0x9;
	_ =	strace $0x8000004B  }
0xb4: {  	_ =	swait.ge [sflag:s29], $0x1  }
0xb5: {  	[sflag:s29] =	ssyncadd.s32 $0xFFFFFFFF  }
0xb6: {  	_ =	strace $0x9000004B  }
0xb7: {  	_ =	sfence  }
0xb8: {  	s30 =	sld [smem:$0x0];
	_ =	sdelay $0x2  }
0xb9: {  	s31 =	sshll.u32 s1, $0xD;
	s1 =	sshrl.u32 s1, $0x2  }
0xba: {  	s3 =	sand.u32 $0x4000, s31;
	s1 =	sadd.s32 s1, s30  }
0xbb: {  	s0 =	sor.u32 s3, s0;
	s1 =	sshll.u32 s1, $0x11  }
0xbc: {  	s0 =	sor.u32 s1, s0  }
0xbd: {  	s0 =	sadd.s32 $0x8F2B, s0  }
0xbe: {  	[sflag:s0] =	ssyncadd.remote.s32 $0x1  }
0xbf: {  	_ =	sfence.sel $0xFFFF  }
0xc0: {  	[dreg:$0x0] =	wrdreg $0xFFFFFFFF;
	(pc) =	sbr.abs _section_cstart, $3  }
0xc1: {  	[dreg:$0x1] =	wrdreg $0xFFFFFFFF  }
0xc2: {  	_ =	task.clear_ibuf [dreg:s7], $0x2FFFF;
	_ =	strace $0x9FFFFFFF  }
0xc3: {  	(tm) =	ssettm $0x7FFFFFFF  }
tec
execute0_lowered:
.L_overlay_start_1:
0x0: {  	(tag) =	ssettag $0x1  }
0x1: {  	s5 =	rddreg [dreg:$0x0]  }
0x2: {  	s0 =	srdreg.scid;
	s11 =	rddreg [dreg:$0x1]  }
0x3: {  	s2 =	rddreg [dreg:$0x2];
	s6 =	sand.u32 $0x1, s0  }
0x4: {  	s3 =	simm.s32 $0x0;
	s0 =	stileid.u32;
	s7 =	smul.u32 $0x27800, s6  }
0x5: {  	[smem:$0x7FF] =	sst s3;
	s8 =	smul.u32 $0x278, s0  }
0x6: {  	s1 =	sshll.u32 s6, $0x4;
	s6 =	ssub.s32 $0x2, s6;
	s9 =	smul.u32 $0x4F000, s0  }
0x7: {  	s19 =	smul.u32 $0x2780, s0;
	s4 =	sor.u32 s0, s1;
	s1 =	rddreg [dreg:$0x3]  }
0x8: {  	_ =	strace $0x8000004A;
	s25 =	sshrl.u32 s6, $0x1;
	s12 =	smul.u32 $0x4F0, s4  }
0x9: {  	s4 =	sadd.s32 $0x15200, s5;
	s13 =	sadd.s32 s7, s5;
	s14 =	sadd.s32 $0x80, s8  }
0xa: {  	s15 =	ssub.s32 s6, s25;
	s26 =	sshrl.u32 s9, $0x2;
	s16 =	sadd.s32 $0x100, s8  }
0xb: {  	s17 =	sadd.s32 $0x180, s8;
	s18 =	sadd.s32 $0x200, s8;
	s28 =	sshll.u32 s14, $0x7  }
0xc: {  	s29 =	sshll.u32 s16, $0x7;
	s30 =	sshll.u32 s17, $0x7;
	s31 =	sshll.u32 s18, $0x7  }
0xd: {  	s21 =	sadd.s32 $0x3CA00, s13;
	s20 =	sshll.u32 s14, $0x4;
	s22 =	sshll.u32 s16, $0x4  }
0xe: {  	s23 =	sshll.u32 s17, $0x4;
	s24 =	sshll.u32 s18, $0x4;
	s13 =	simm.s32 $0x4F00  }
0xf: {  	s14 =	simm.s32 $0x1;
	s16 =	simm.s32 $0x80;
	s10 =	sadd.s32 s12, s5  }
0x10: {  	s5 =	sadd.s32 s26, s2;
	s6 =	sadd.s32 s28, s2;
	s7 =	sadd.s32 s29, s2  }
0x11: {  	s8 =	sadd.s32 s30, s2;
	s9 =	sadd.s32 s31, s2;
	s11 =	sadd.s32 s11, s12  }
0x12: {  	s12 =	smax.u32 s15, $0x1;
	s15 =	simm.s32 $0x2780;
	s17 =	sadd.s32 s19, s21  }
0x13: {  	s18 =	sadd.s32 s20, s21;
	s19 =	sadd.s32 s22, s21;
	s20 =	sadd.s32 s23, s21  }
0x14: {  	v0 =	vimm.f32 $0.0e+00;
	s21 =	sadd.s32 s24, s21;
	s22 =	simm.s32 $0x0;
	s10 =	sadd.s32 $0xB400, s10  }
.LBB2_1:
0x15: {  	s23 =	sand.u32 $0xFE00, s3  }
0x16: {  	s24 =	sand.u32 $0x70, s3;
	s25 =	sshrl.u32 s23, $0x2  }
0x17: {  	s23 =	simm.s32 $0x40;
	s25 =	sor.u32 s24, s25;
	s24 =	simm.s32 $0x0  }
.LBB2_2:
0x18: {  	p0 =	sne.s32 s23, $0xFFC0  }
0x19: {  	[tilespmem:s25+$0x4F00] =	vst v0;
	s24 =	sadd.s32 $0x10, s24;
	s25 =	smov.u32 s23;
	s23 =	sadd.s32 $0x40, s23  }
.Ltmp0:
0x1a: {  	(pc) =	sbr.rel @p0 .LBB2_2-.Ltmp0, $4  }
0x1b: {  	_ = 	snop  }
0x1c: {  	s25 =	sand.u32 $0xFE00, s25  }
0x1d: {  	s26 =	sand.u32 $0x70, s24;
	s25 =	sshrl.u32 s25, $0x2  }
0x1e: {  	s25 =	sor.u32 s26, s25  }
0x1f: {  	[tilespmem:s25+$0x4F00] =	vst v0  }
0x20: {  	[spmem:s5] =	stream.linear.scatter [tilespmem:s13], [sflag:$0x1], $0x4000, $0x38;
	[tilespmem:$0x1CB00] =	vst v63  }
0x21: {  	_ =	swait.ge [sflag:s14], $0x4000  }
0x22: {  	[sflag:s14] =	ssyncset.done $0x0  }
0x23: {  	[sflag:s14] =	ssyncadd.s32 $0xFFFFC000  }
0x24: {  	[spmem:s6] =	stream.linear.scatter [tilespmem:s13], [sflag:$0x1], $0x4000, $0x38;
	[tilespmem:$0x1CB00] =	vst v63  }
0x25: {  	_ =	swait.ge [sflag:s14], $0x4000  }
0x26: {  	[sflag:s14] =	ssyncset.done $0x0  }
0x27: {  	[sflag:s14] =	ssyncadd.s32 $0xFFFFC000  }
0x28: {  	[spmem:s7] =	stream.linear.scatter [tilespmem:s13], [sflag:$0x1], $0x4000, $0x38;
	[tilespmem:$0x1CB00] =	vst v63  }
0x29: {  	_ =	swait.ge [sflag:s14], $0x4000  }
0x2a: {  	[sflag:s14] =	ssyncset.done $0x0  }
0x2b: {  	[sflag:s14] =	ssyncadd.s32 $0xFFFFC000  }
0x2c: {  	[spmem:s8] =	stream.linear.scatter [tilespmem:s13], [sflag:$0x1], $0x4000, $0x38;
	[tilespmem:$0x1CB00] =	vst v63  }
0x2d: {  	_ =	swait.ge [sflag:s14], $0x4000  }
0x2e: {  	[sflag:s14] =	ssyncset.done $0x0  }
0x2f: {  	[sflag:s14] =	ssyncadd.s32 $0xFFFFC000  }
0x30: {  	[spmem:s9] =	stream.linear.scatter [tilespmem:s13], [sflag:$0x1], $0x3C00, $0x38;
	[tilespmem:$0x1CB00] =	vst v63  }
0x31: {  	_ =	swait.ge [sflag:s14], $0x3C00  }
0x32: {  	[sflag:s14] =	ssyncset.done $0x0  }
0x33: {  	s23 =	simm.s32 $0x0;
	[sflag:s14] =	ssyncadd.s32 $0xFFFFC400  }
0x34: {  	[tilespmem:s23], [sflag:$0x1] =	stream.linear.gather [hbm4b:s10+s23], $0x2780, $0x38;
	[tilespmem:$0x1CB00] =	vst v63  }
0x35: {  	_ =	swait.ge [sflag:s14], $0x2780  }
0x36: {  	[sflag:s14] =	ssyncset.done $0x0  }
0x37: {  	[sflag:s14] =	ssyncadd.s32 $0xFFFFD880  }
0x38: {  	[tilespmem:s15], [sflag:$0x1] =	stream.linear.gather [hbm4b:s11+s23], $0x2780, $0x38;
	[tilespmem:$0x1CB00] =	vst v63  }
0x39: {  	_ =	swait.ge [sflag:s14], $0x2780  }
0x3a: {  	[sflag:s14] =	ssyncset.done $0x0  }
0x3b: {  	[sflag:s14] =	ssyncadd.s32 $0xFFFFD880  }
0x3c: {  	s30 =	simm.s32 $0x0;
	[bflag:$0x0] =	sbarrier.arrive $0xFFFF  }
0x3d: {  	[tilespmem:s13], [sflag:$0x1] =	stream.indirect.gather [hbm4b:s4+s16], $0x80, s30, s16, $0xb8;
	[tilespmem:$0x1CB00] =	vst v63  }
0x3e: {  	_ =	swait.ge [sflag:s14], $0x4000  }
0x3f: {  	[sflag:s14] =	ssyncset.done $0x0  }
0x40: {  	s31 =	simm.s32 $0x2780;
	[sflag:s14] =	ssyncadd.s32 $0xFFFFC000  }
0x41: {  	[spmem:s2] =	stream.indirect.scatter.add.f32 [tilespmem:s13], [sflag:$0x1], $0x80, s31, s16, $0xb8;
	[tilespmem:$0x1CB00] =	vst v63  }
0x42: {  	_ =	swait.ge [sflag:s14], $0x4000  }
0x43: {  	s24 =	simm.s32 $0x400;
	s23 =	simm.s32 $0x200;
	[sflag:s14] =	ssyncset.done $0x0  }
.LBB2_4:
0x44: {  	s25 =	sshra.s32 s23, $0x2  }
0x45: {  	[sflag:s14] =	ssyncadd.s32 $0xFFFFC000;
	s23 =	smov.u32 s24;
	s26 =	sadd.s32 $0x200, s24  }
0x46: {  	[tilespmem:s13], [sflag:$0x1] =	stream.indirect.gather [hbm4b:s4+s16], $0x80, s25, s16, $0xb8;
	[tilespmem:$0x1CB00] =	vst v63  }
0x47: {  	p0 =	sne.s32 s24, $0x9C00;
	_ =	swait.ge [sflag:s14], $0x4000  }
.Ltmp1:
0x48: {  	[sflag:s14] =	ssyncset.done $0x0;
	(pc) =	sbr.rel @p0 .LBB2_4-.Ltmp1, $4  }
0x49: {  	s24 =	sadd.s32 $0x2780, s25;
	[sflag:s14] =	ssyncadd.s32 $0xFFFFC000  }
0x4a: {  	[spmem:s2] =	stream.indirect.scatter.add.f32 [tilespmem:s13], [sflag:$0x1], $0x80, s24, s16, $0xb8;
	[tilespmem:$0x1CB00] =	vst v63  }
0x4b: {  	_ =	swait.ge [sflag:s14], $0x4000  }
0x4c: {  	s24 =	smov.u32 s26;
	[sflag:s14] =	ssyncset.done $0x0  }
0x4d: {  	s23 =	sshra.s32 s23, $0x2;
	[sflag:s14] =	ssyncadd.s32 $0xFFFFC000  }
0x4e: {  	[tilespmem:s13], [sflag:$0x1] =	stream.indirect.gather [hbm4b:s4+s16], $0x80, s23, s16, $0xb8;
	[tilespmem:$0x1CB00] =	vst v63  }
0x4f: {  	_ =	swait.ge [sflag:s14], $0x4000  }
0x50: {  	[sflag:s14] =	ssyncset.done $0x0  }
0x51: {  	s23 =	sadd.s32 $0x2780, s23;
	[sflag:s14] =	ssyncadd.s32 $0xFFFFC000  }
0x52: {  	[spmem:s2] =	stream.indirect.scatter.add.f32 [tilespmem:s13], [sflag:$0x1], $0x80, s23, s16, $0xb8;
	[tilespmem:$0x1CB00] =	vst v63  }
0x53: {  	_ =	swait.ge [sflag:s14], $0x4000  }
0x54: {  	[sflag:s14] =	ssyncset.done $0x0  }
0x55: {  	s26 =	sshll.u32 s0, $0x6;
	[sflag:s14] =	ssyncadd.s32 $0xFFFFC000  }
0x56: {  	s24 =	sshrl.u32 s5, $0x3;
	s23 =	sor.u32 $0x1C01, s26;
	[bflag:$0x0] =	sbarrier.arrive $0xFFFF  }
0x57: {  	[hbm:s17], [sflag:s23] =	dma.local [spmem:s24], $0x800  }
0x58: {  	_ =	swait.ge [sflag:s14], $0x800  }
0x59: {  	[sflag:s14] =	ssyncset.done $0x0  }
0x5a: {  	s28 =	sshrl.u32 s6, $0x3;
	[sflag:s14] =	ssyncadd.s32 $0xFFFFF800  }
0x5b: {  	[hbm:s18], [sflag:s23] =	dma.local [spmem:s28], $0x800  }
0x5c: {  	_ =	swait.ge [sflag:s14], $0x800  }
0x5d: {  	[sflag:s14] =	ssyncset.done $0x0  }
0x5e: {  	s29 =	sshrl.u32 s7, $0x3;
	[sflag:s14] =	ssyncadd.s32 $0xFFFFF800  }
0x5f: {  	[hbm:s19], [sflag:s23] =	dma.local [spmem:s29], $0x800  }
0x60: {  	_ =	swait.ge [sflag:s14], $0x800  }
0x61: {  	[sflag:s14] =	ssyncset.done $0x0  }
0x62: {  	s30 =	sshrl.u32 s8, $0x3;
	[sflag:s14] =	ssyncadd.s32 $0xFFFFF800  }
0x63: {  	[hbm:s20], [sflag:s23] =	dma.local [spmem:s30], $0x800  }
0x64: {  	s22 =	sadd.s32 $0x1, s22;
	_ =	swait.ge [sflag:s14], $0x800  }
0x65: {  	p0 =	sne.s32 s22, s12;
	[sflag:s14] =	ssyncset.done $0x0  }
.Ltmp2:
0x66: {  	s31 =	sshrl.u32 s9, $0x3;
	[sflag:s14] =	ssyncadd.s32 $0xFFFFF800;
	(pc) =	sbr.rel @p0 .LBB2_1-.Ltmp2, $4  }
0x67: {  	[hbm:s21], [sflag:s23] =	dma.local [spmem:s31], $0x780  }
0x68: {  	_ =	swait.ge [sflag:s14], $0x780  }
0x69: {  	[sflag:s14] =	ssyncset.done $0x0  }
0x6a: {  	[sflag:s14] =	ssyncadd.s32 $0xFFFFF880  }
0x6b: {  	_ =	sfence.sel $0x180000  }
0x6c: {  	[bflag:$0x0] =	sbarrier.arrive $0xFFFF  }
0x6d: {  	p0 =	sne.s32 s0, $0x0;
	_ =	strace $0x9000004A  }
0x6e: {  	s0 =	sadd.s32 @!p0 $0x100000, s1;
	[bflag:$0x2] =	sbarrier.arrive $0xFFFF  }
0x6f: {  	[sflag:s0] =	ssyncadd.tile.s32 @!p0 $0x1;
	_ =	shalt  }
.Lfunc_end2:
_tile_overlayer_lowered:
.L_overlay_start_2:
0x70: {  	(tag) =	ssettag $0x2  }
0x71: {  	s0 =	rddreg [dreg:$0x0];
	s2 =	stileid.u32  }
0x72: {  	s1 =	rddreg [dreg:$0x1];
	p0 =	sne.s32 s2, $0x0  }
0x73: {  	s3 =	rddreg [dreg:$0x2];
	[bflag:$0x3] =	sbarrier.arrive $0xFFFF;
	s2 =	simm.s32 @!p0 $0x1C01  }
0x74: {  	[timem:s3], [sflag:s2] =	dma.local @!p0 [hbm:s0], s1  }
0x75: {  	s0 =	simm.s32 @!p0 $0x1  }
0x76: {  	_ =	swait.ge @!p0 [sflag:s0], s1  }
0x77: {  	s1 =	ssub.s32 @!p0 $0x0, s1;
	[sflag:s0] =	ssyncset.done @!p0 $0x0  }
0x78: {  	[sflag:s0] =	ssyncadd.s32 @!p0 s1  }
0x79: {  	[bflag:$0x3] =	sbarrier.arrive $0xFFFF  }
0x7a: {  	_ =	shalt  }

</sc_bundles>
